<compile_context>
chip_gen: v7x
topology: tpu7x:2x2x1
jax: 0.10.2.dev20260603
libtpu: 0.0.44.dev20260713+nightly
codegen_flags: <defaults>
</compile_context>

<pallas_src>
import functools

import jax
import jax.numpy as jnp
from jax import lax
from jax.experimental import pallas as pl
from jax.experimental.pallas import tpu as pltpu
from jax.experimental.pallas import tpu_sc as plsc

VOCAB = 100000
EMB = 64
HID = 128
SEQ = 200
BATCH = 1024

_NW = 32
_TOK = SEQ * BATCH
_BPW = _TOK // _NW
_CH = 128
_NCH = _BPW // _CH


def _flatten_idx(src):
    def body(s_ref, o_ref):
        o_ref[...] = s_ref[...].reshape(_TOK // 128, 128)

    return pl.pallas_call(
        body,
        grid=(1,),
        in_specs=[pl.BlockSpec((SEQ, BATCH), lambda i: (0, 0))],
        out_specs=pl.BlockSpec((_TOK // 128, 128), lambda i: (0, 0)),
        out_shape=jax.ShapeDtypeStruct((_TOK // 128, 128), jnp.int32),
    )(src)


def _sc_gather(table, idx2d):
    mesh = plsc.VectorSubcoreMesh(core_axis_name="c", subcore_axis_name="s")

    @functools.partial(
        pl.kernel,
        mesh=mesh,
        out_type=jax.ShapeDtypeStruct((_TOK, 128), jnp.float32),
        scratch_types=[
            pltpu.VMEM((_NCH, _CH), jnp.int32),
            pltpu.VMEM((5, _CH, EMB), jnp.float32),
            pltpu.SemaphoreType.DMA,
            pltpu.SemaphoreType.DMA,
            pltpu.SemaphoreType.DMA,
            pltpu.SemaphoreType.DMA,
            pltpu.SemaphoreType.DMA,
        ],
        compiler_params=pltpu.CompilerParams(use_tc_tiling_on_sc=False),
    )
    def gather_kernel(table_hbm, idx_hbm, out_hbm, idx_v, bufs, s0, s1, s2, s3, s4):
        wid = lax.axis_index("s") * 2 + lax.axis_index("c")
        base = wid * _BPW
        pltpu.sync_copy(idx_hbm.at[pl.ds(wid * _NCH, _NCH)], idx_v)
        sems = (s0, s1, s2, s3, s4)

        for b in range(5):
            pltpu.async_copy(table_hbm.at[idx_v.at[b]], bufs.at[b], sems[b])

        def body(g, carry):
            j0 = 5 * g
            for b in range(5):
                j = j0 + b
                pltpu.make_async_copy(
                    table_hbm.at[idx_v.at[0]], bufs.at[b], sems[b]).wait()
                pltpu.sync_copy(
                    bufs.at[b],
                    out_hbm.at[pl.ds(base + j * _CH, _CH), pl.ds(0, EMB)])

                @pl.when(j + 5 < _NCH)
                def _():
                    pltpu.async_copy(
                        table_hbm.at[idx_v.at[j + 5]], bufs.at[b], sems[b])
            return carry

        lax.fori_loop(0, _NCH // 5, body, None)

    return gather_kernel(table, idx2d)


_TPI = 8
_NIT = SEQ // _TPI


def _gru_body(xf_ref, xb_ref, wrz_f, whn_f, win_f, brz_f, bhn_f, bin_f,
              wrz_b, whn_b, win_b, brz_b, bhn_b, bin_b, out_ref, hf, hb):
    wb_f = (wrz_f, whn_f, win_f, brz_f, bhn_f, bin_f)
    wb_b = (wrz_b, whn_b, win_b, brz_b, bhn_b, bin_b)
    t = pl.program_id(0)

    @pl.when(t == 0)
    def _init():
        hf[...] = jnp.zeros((BATCH, HID), jnp.float32)
        hb[...] = jnp.zeros((BATCH, HID), jnp.float32)

    def step(x, h_ref, w_rz, wh_n, wi_n, b_rz, bh_n, bi_n):
        h = h_ref[...]
        h_bf = h.astype(jnp.bfloat16)
        x_bf = x.astype(jnp.bfloat16)
        xh = jnp.concatenate([h_bf, x_bf], axis=1)
        s_rz = jnp.dot(xh, w_rz[...],
                       preferred_element_type=jnp.float32) + b_rz[...]
        hn = jnp.dot(h_bf, wh_n[...],
                     preferred_element_type=jnp.float32) + bh_n[...]
        i_n = jnp.dot(x_bf, wi_n[...],
                      preferred_element_type=jnp.float32) + bi_n[...]
        t_rz = jnp.tanh(s_rz)
        r = 0.5 * t_rz[:, :HID] + 0.5
        z = 0.5 * t_rz[:, HID:] + 0.5
        n = jnp.tanh(i_n + r * hn)
        h_ref[...] = n + z * (h - n)

    for k in range(_TPI):
        step(xf_ref[pl.ds(k * BATCH, BATCH), :EMB], hf, *wb_f)
        step(xb_ref[pl.ds((_TPI - 1 - k) * BATCH, BATCH), :EMB], hb, *wb_b)

    @pl.when(t == _NIT - 1)
    def _out():
        out_ref[0] = hf[...]
        out_ref[1] = hb[...]


def _tc_gru(embedded, pf, pb):
    full = lambda a: pl.BlockSpec(a.shape, lambda t: (0,) * a.ndim)
    return pl.pallas_call(
        _gru_body,
        grid=(_NIT,),
        in_specs=[
            pl.BlockSpec((_TPI * BATCH, 128), lambda t: (t, 0)),
            pl.BlockSpec((_TPI * BATCH, 128), lambda t: (_NIT - 1 - t, 0)),
        ] + [full(a) for a in pf] + [full(a) for a in pb],
        out_specs=pl.BlockSpec((2, BATCH, HID), lambda t: (0, 0, 0)),
        out_shape=jax.ShapeDtypeStruct((2, BATCH, HID), jnp.float32),
        scratch_shapes=[
            pltpu.VMEM((BATCH, HID), jnp.float32),
            pltpu.VMEM((BATCH, HID), jnp.float32),
        ],
    )(embedded, embedded, *pf, *pb)


def _prep_weights(Wih, Whh, bih, bhh):
    bf = jnp.bfloat16
    WiT, WhT = Wih.T, Whh.T
    w_rz = (0.5 * jnp.concatenate(
        [WhT[:, :2 * HID], WiT[:, :2 * HID]], axis=0)).astype(bf)
    wh_n = WhT[:, 2 * HID:].astype(bf)
    wi_n = WiT[:, 2 * HID:].astype(bf)
    b_rz = (0.5 * (bih[:2 * HID] + bhh[:2 * HID])).reshape(1, -1)
    bh_n = bhh[2 * HID:].reshape(1, -1)
    bi_n = bih[2 * HID:].reshape(1, -1)
    return w_rz, wh_n, wi_n, b_rz, bh_n, bi_n


def kernel(src, emb, w_ih_f, w_hh_f, b_ih_f, b_hh_f, w_ih_b, w_hh_b, b_ih_b, b_hh_b):
    idx2d = _flatten_idx(src)
    embedded = _sc_gather(emb, idx2d)
    pf = _prep_weights(w_ih_f, w_hh_f, b_ih_f, b_hh_f)
    pb = _prep_weights(w_ih_b, w_hh_b, b_ih_b, b_hh_b)
    return _tc_gru(embedded, pf, pb)

# --- scband reference (transcript-rebuilt; emitter-appended) ---
"""Pipeline reference for scband-encoder-46626164966061 (READ-ONLY COPY).

The authoritative reference and input builder live on the scoring server;
editing this copy changes nothing except your own understanding.
"""

import jax, jax.numpy as jnp
import numpy as np

VOCAB = 100000
EMB = 64
HID = 128
SEQ = 200
BATCH = 1024


def setup_inputs(seed: int = 0) -> dict:
    key = jax.random.key(seed)
    ks = jax.random.split(key, 11)
    s = 1.0 / np.sqrt(HID)
    inp = {}
    inp["src"] = jax.random.randint(ks[0], (SEQ, BATCH), 0, VOCAB, dtype=jnp.int32)
    inp["emb"] = jax.random.normal(ks[1], (VOCAB, EMB), dtype=jnp.float32)
    inp["w_ih_f"] = jax.random.uniform(ks[2], (3 * HID, EMB), minval=-s, maxval=s, dtype=jnp.float32)
    inp["w_hh_f"] = jax.random.uniform(ks[3], (3 * HID, HID), minval=-s, maxval=s, dtype=jnp.float32)
    inp["b_ih_f"] = jax.random.uniform(ks[4], (3 * HID,), minval=-s, maxval=s, dtype=jnp.float32)
    inp["b_hh_f"] = jax.random.uniform(ks[5], (3 * HID,), minval=-s, maxval=s, dtype=jnp.float32)
    inp["w_ih_b"] = jax.random.uniform(ks[6], (3 * HID, EMB), minval=-s, maxval=s, dtype=jnp.float32)
    inp["w_hh_b"] = jax.random.uniform(ks[7], (3 * HID, HID), minval=-s, maxval=s, dtype=jnp.float32)
    inp["b_ih_b"] = jax.random.uniform(ks[8], (3 * HID,), minval=-s, maxval=s, dtype=jnp.float32)
    inp["b_hh_b"] = jax.random.uniform(ks[9], (3 * HID,), minval=-s, maxval=s, dtype=jnp.float32)
    return inp


def _gru_dir(x, Wih, Whh, bih, bhh, reverse):
    # x: [SEQ, B, EMB]; PyTorch GRU gate math, gate order (r, z, n)
    h0 = jnp.zeros((x.shape[1], HID), dtype=x.dtype)

    def step(h, xt):
        gi = xt @ Wih.T + bih
        gh = h @ Whh.T + bhh
        i_r, i_z, i_n = jnp.split(gi, 3, axis=-1)
        h_r, h_z, h_n = jnp.split(gh, 3, axis=-1)
        r = jax.nn.sigmoid(i_r + h_r)
        z = jax.nn.sigmoid(i_z + h_z)
        n = jnp.tanh(i_n + r * h_n)
        h_new = (1.0 - z) * n + z * h
        return h_new, h_new

    h_last, _ = jax.lax.scan(step, h0, x, reverse=reverse)
    return h_last


def reference(src, emb, w_ih_f, w_hh_f, b_ih_f, b_hh_f, w_ih_b, w_hh_b, b_ih_b, b_hh_b):
    # embedding lookup (gather)
    embedded = jnp.take(emb, src, axis=0)  # [SEQ, BATCH, EMB]
    h_fwd = _gru_dir(embedded, w_ih_f, w_hh_f, b_ih_f, b_hh_f, reverse=False)
    h_bwd = _gru_dir(embedded, w_ih_b, w_hh_b, b_ih_b, b_hh_b, reverse=True)
    # PyTorch hidden layout for 1-layer bidirectional GRU: [2, BATCH, HID]
    hidden = jnp.stack([h_fwd, h_bwd], axis=0)
    return hidden

if __name__ == "__main__":
    import jax
    _d = setup_inputs()
    print(jax.jit(kernel)(*tuple(_d.values())))

</pallas_src>

<mosaic_0001>
#map = affine_map<(d0, d1) -> (0, 0)>
module attributes {stable_mosaic.version = 14 : i64} {
  func.func @gather_kernel(%arg0: i32, %arg1: i32, %arg2: memref<100000x64xf32, #tpu.memory_space<hbm>>, %arg3: memref<1600x128xi32, #tpu.memory_space<hbm>>, %arg4: memref<204800x128xf32, #tpu.memory_space<hbm>>, %arg5: memref<50x128xi32, #tpu.memory_space<vmem>>, %arg6: memref<5x128x64xf32, #tpu.memory_space<vmem>>, %arg7: memref<!tpu.dma_semaphore, #tpu.memory_space<semaphore_mem>>, %arg8: memref<!tpu.dma_semaphore, #tpu.memory_space<semaphore_mem>>, %arg9: memref<!tpu.dma_semaphore, #tpu.memory_space<semaphore_mem>>, %arg10: memref<!tpu.dma_semaphore, #tpu.memory_space<semaphore_mem>>, %arg11: memref<!tpu.dma_semaphore, #tpu.memory_space<semaphore_mem>>) attributes {dimension_semantics = [#tpu.dimension_semantics<core_parallel>, #tpu.dimension_semantics<subcore_parallel>], iteration_bounds = array<i64: 2, 16>, scalar_prefetch = 0 : i64, scratch_operands = 7 : i64, tpu.core_type = #tpu.core_type<sc_vector_subcore>, window_params = [{transform_indices = #map}, {transform_indices = #map}, {transform_indices = #map}]} {
    %mul3A = arith.constant 2 : i32
    %mul3A_0 = arith.muli %arg1, %mul3A : i32
    %add3A = arith.addi %mul3A_0, %arg0 : i32
    %mul3A_1 = arith.constant 6400 : i32
    %mul3A_2 = arith.muli %add3A, %mul3A_1 : i32
    %mul3A_3 = arith.constant 50 : i32
    %mul3A_4 = arith.muli %add3A, %mul3A_3 : i32
    "tpu.region"() ({
      %run_scoped3A = tpu.sem_alloc : memref<!tpu.dma_semaphore, #tpu.memory_space<semaphore_mem>>
      %dma_start3A_68 = arith.constant 0 : i32
      %dma_start3A_69 = tpu.memref_slice %arg3[%mul3A_4, %dma_start3A_68] : memref<1600x128xi32, #tpu.memory_space<hbm>> -> memref<50x128xi32, #tpu.memory_space<hbm>>
      %dma_start3A_70 = arith.constant 0 : i32
      %dma_start3A_71 = tpu.memref_slice %arg3[%mul3A_4, %dma_start3A_70] : memref<1600x128xi32, #tpu.memory_space<hbm>> -> memref<50x128xi32, #tpu.memory_space<hbm>>
      tpu.enqueue_dma source(%dma_start3A_71 : memref<50x128xi32, #tpu.memory_space<hbm>>) target(%arg5 : memref<50x128xi32, #tpu.memory_space<vmem>>) target_semaphore(%run_scoped3A : memref<!tpu.dma_semaphore, #tpu.memory_space<semaphore_mem>>)
      %dma_wait3A = arith.constant 0 : i32
      %dma_wait3A_72 = tpu.memref_slice %arg3[%mul3A_4, %dma_wait3A] : memref<1600x128xi32, #tpu.memory_space<hbm>> -> memref<50x128xi32, #tpu.memory_space<hbm>>
      %dma_wait3A_73 = arith.constant 0 : i32
      %dma_wait3A_74 = tpu.memref_slice %arg3[%mul3A_4, %dma_wait3A_73] : memref<1600x128xi32, #tpu.memory_space<hbm>> -> memref<50x128xi32, #tpu.memory_space<hbm>>
      tpu.wait_dma2 semaphore(%run_scoped3A : memref<!tpu.dma_semaphore, #tpu.memory_space<semaphore_mem>>) src(%dma_wait3A_74 : memref<50x128xi32, #tpu.memory_space<hbm>>) dst(%arg5 : memref<50x128xi32, #tpu.memory_space<vmem>>)
      tpu.yield
    }) : () -> ()
    %dma_start3A = arith.constant 0 : i32
    %dma_start3A_5 = arith.constant 0 : i32
    %dma_start3A_6 = arith.constant 0 : i32
    %dma_start3A_7 = arith.constant 0 : i32
    %dma_start3A_8 = tpu.memref_slice %arg6[%dma_start3A_5, %dma_start3A_6, %dma_start3A_7] : memref<5x128x64xf32, #tpu.memory_space<vmem>> -> memref<1x128x64xf32, #tpu.memory_space<vmem>>
    %dma_start3A_9 = tpu.memref_squeeze %dma_start3A_8 : memref<1x128x64xf32, #tpu.memory_space<vmem>> -> memref<128x64xf32, #tpu.memory_space<vmem>>
    %dma_start3A_10 = arith.constant 0 : i32
    %dma_start3A_11 = tpu.memref_slice %arg5[%dma_start3A, %dma_start3A_10] : memref<50x128xi32, #tpu.memory_space<vmem>> -> memref<1x128xi32, #tpu.memory_space<vmem>>
    %dma_start3A_12 = tpu.memref_squeeze %dma_start3A_11 : memref<1x128xi32, #tpu.memory_space<vmem>> -> memref<128xi32, #tpu.memory_space<vmem>>
    %dma_start3A_13 = arith.constant 0 : i32
    %dma_start3A_14 = arith.constant 0 : i32
    %dma_start3A_15 = tpu.memref_slice %arg2[%dma_start3A_13, %dma_start3A_14] : memref<100000x64xf32, #tpu.memory_space<hbm>> -> memref<100000x64xf32, #tpu.memory_space<hbm>>
    tpu.enqueue_indirect_dma source(%dma_start3A_15 : memref<100000x64xf32, #tpu.memory_space<hbm>>) target(%dma_start3A_9 : memref<128x64xf32, #tpu.memory_space<vmem>>) offsets(%dma_start3A_12 : memref<128xi32, #tpu.memory_space<vmem>>) semaphore(%arg7 : memref<!tpu.dma_semaphore, #tpu.memory_space<semaphore_mem>>)
    %dma_start3A_16 = arith.constant 1 : i32
    %dma_start3A_17 = arith.constant 1 : i32
    %dma_start3A_18 = arith.constant 0 : i32
    %dma_start3A_19 = arith.constant 0 : i32
    %dma_start3A_20 = tpu.memref_slice %arg6[%dma_start3A_17, %dma_start3A_18, %dma_start3A_19] : memref<5x128x64xf32, #tpu.memory_space<vmem>> -> memref<1x128x64xf32, #tpu.memory_space<vmem>>
    %dma_start3A_21 = tpu.memref_squeeze %dma_start3A_20 : memref<1x128x64xf32, #tpu.memory_space<vmem>> -> memref<128x64xf32, #tpu.memory_space<vmem>>
    %dma_start3A_22 = arith.constant 0 : i32
    %dma_start3A_23 = tpu.memref_slice %arg5[%dma_start3A_16, %dma_start3A_22] : memref<50x128xi32, #tpu.memory_space<vmem>> -> memref<1x128xi32, #tpu.memory_space<vmem>>
    %dma_start3A_24 = tpu.memref_squeeze %dma_start3A_23 : memref<1x128xi32, #tpu.memory_space<vmem>> -> memref<128xi32, #tpu.memory_space<vmem>>
    %dma_start3A_25 = arith.constant 0 : i32
    %dma_start3A_26 = arith.constant 0 : i32
    %dma_start3A_27 = tpu.memref_slice %arg2[%dma_start3A_25, %dma_start3A_26] : memref<100000x64xf32, #tpu.memory_space<hbm>> -> memref<100000x64xf32, #tpu.memory_space<hbm>>
    tpu.enqueue_indirect_dma source(%dma_start3A_27 : memref<100000x64xf32, #tpu.memory_space<hbm>>) target(%dma_start3A_21 : memref<128x64xf32, #tpu.memory_space<vmem>>) offsets(%dma_start3A_24 : memref<128xi32, #tpu.memory_space<vmem>>) semaphore(%arg8 : memref<!tpu.dma_semaphore, #tpu.memory_space<semaphore_mem>>)
    %dma_start3A_28 = arith.constant 2 : i32
    %dma_start3A_29 = arith.constant 2 : i32
    %dma_start3A_30 = arith.constant 0 : i32
    %dma_start3A_31 = arith.constant 0 : i32
    %dma_start3A_32 = tpu.memref_slice %arg6[%dma_start3A_29, %dma_start3A_30, %dma_start3A_31] : memref<5x128x64xf32, #tpu.memory_space<vmem>> -> memref<1x128x64xf32, #tpu.memory_space<vmem>>
    %dma_start3A_33 = tpu.memref_squeeze %dma_start3A_32 : memref<1x128x64xf32, #tpu.memory_space<vmem>> -> memref<128x64xf32, #tpu.memory_space<vmem>>
    %dma_start3A_34 = arith.constant 0 : i32
    %dma_start3A_35 = tpu.memref_slice %arg5[%dma_start3A_28, %dma_start3A_34] : memref<50x128xi32, #tpu.memory_space<vmem>> -> memref<1x128xi32, #tpu.memory_space<vmem>>
    %dma_start3A_36 = tpu.memref_squeeze %dma_start3A_35 : memref<1x128xi32, #tpu.memory_space<vmem>> -> memref<128xi32, #tpu.memory_space<vmem>>
    %dma_start3A_37 = arith.constant 0 : i32
    %dma_start3A_38 = arith.constant 0 : i32
    %dma_start3A_39 = tpu.memref_slice %arg2[%dma_start3A_37, %dma_start3A_38] : memref<100000x64xf32, #tpu.memory_space<hbm>> -> memref<100000x64xf32, #tpu.memory_space<hbm>>
    tpu.enqueue_indirect_dma source(%dma_start3A_39 : memref<100000x64xf32, #tpu.memory_space<hbm>>) target(%dma_start3A_33 : memref<128x64xf32, #tpu.memory_space<vmem>>) offsets(%dma_start3A_36 : memref<128xi32, #tpu.memory_space<vmem>>) semaphore(%arg9 : memref<!tpu.dma_semaphore, #tpu.memory_space<semaphore_mem>>)
    %dma_start3A_40 = arith.constant 3 : i32
    %dma_start3A_41 = arith.constant 3 : i32
    %dma_start3A_42 = arith.constant 0 : i32
    %dma_start3A_43 = arith.constant 0 : i32
    %dma_start3A_44 = tpu.memref_slice %arg6[%dma_start3A_41, %dma_start3A_42, %dma_start3A_43] : memref<5x128x64xf32, #tpu.memory_space<vmem>> -> memref<1x128x64xf32, #tpu.memory_space<vmem>>
    %dma_start3A_45 = tpu.memref_squeeze %dma_start3A_44 : memref<1x128x64xf32, #tpu.memory_space<vmem>> -> memref<128x64xf32, #tpu.memory_space<vmem>>
    %dma_start3A_46 = arith.constant 0 : i32
    %dma_start3A_47 = tpu.memref_slice %arg5[%dma_start3A_40, %dma_start3A_46] : memref<50x128xi32, #tpu.memory_space<vmem>> -> memref<1x128xi32, #tpu.memory_space<vmem>>
    %dma_start3A_48 = tpu.memref_squeeze %dma_start3A_47 : memref<1x128xi32, #tpu.memory_space<vmem>> -> memref<128xi32, #tpu.memory_space<vmem>>
    %dma_start3A_49 = arith.constant 0 : i32
    %dma_start3A_50 = arith.constant 0 : i32
    %dma_start3A_51 = tpu.memref_slice %arg2[%dma_start3A_49, %dma_start3A_50] : memref<100000x64xf32, #tpu.memory_space<hbm>> -> memref<100000x64xf32, #tpu.memory_space<hbm>>
    tpu.enqueue_indirect_dma source(%dma_start3A_51 : memref<100000x64xf32, #tpu.memory_space<hbm>>) target(%dma_start3A_45 : memref<128x64xf32, #tpu.memory_space<vmem>>) offsets(%dma_start3A_48 : memref<128xi32, #tpu.memory_space<vmem>>) semaphore(%arg10 : memref<!tpu.dma_semaphore, #tpu.memory_space<semaphore_mem>>)
    %dma_start3A_52 = arith.constant 4 : i32
    %dma_start3A_53 = arith.constant 4 : i32
    %dma_start3A_54 = arith.constant 0 : i32
    %dma_start3A_55 = arith.constant 0 : i32
    %dma_start3A_56 = tpu.memref_slice %arg6[%dma_start3A_53, %dma_start3A_54, %dma_start3A_55] : memref<5x128x64xf32, #tpu.memory_space<vmem>> -> memref<1x128x64xf32, #tpu.memory_space<vmem>>
    %dma_start3A_57 = tpu.memref_squeeze %dma_start3A_56 : memref<1x128x64xf32, #tpu.memory_space<vmem>> -> memref<128x64xf32, #tpu.memory_space<vmem>>
    %dma_start3A_58 = arith.constant 0 : i32
    %dma_start3A_59 = tpu.memref_slice %arg5[%dma_start3A_52, %dma_start3A_58] : memref<50x128xi32, #tpu.memory_space<vmem>> -> memref<1x128xi32, #tpu.memory_space<vmem>>
    %dma_start3A_60 = tpu.memref_squeeze %dma_start3A_59 : memref<1x128xi32, #tpu.memory_space<vmem>> -> memref<128xi32, #tpu.memory_space<vmem>>
    %dma_start3A_61 = arith.constant 0 : i32
    %dma_start3A_62 = arith.constant 0 : i32
    %dma_start3A_63 = tpu.memref_slice %arg2[%dma_start3A_61, %dma_start3A_62] : memref<100000x64xf32, #tpu.memory_space<hbm>> -> memref<100000x64xf32, #tpu.memory_space<hbm>>
    tpu.enqueue_indirect_dma source(%dma_start3A_63 : memref<100000x64xf32, #tpu.memory_space<hbm>>) target(%dma_start3A_57 : memref<128x64xf32, #tpu.memory_space<vmem>>) offsets(%dma_start3A_60 : memref<128xi32, #tpu.memory_space<vmem>>) semaphore(%arg11 : memref<!tpu.dma_semaphore, #tpu.memory_space<semaphore_mem>>)
    %scan3A = arith.constant 0 : i32
    %scan3A_64 = arith.constant 10 : i32
    %scan3A_65 = arith.addi %scan3A, %scan3A_64 : i32
    %scan3A_66 = arith.constant 1 : i32
    scf.for %scan3A_68 = %scan3A to %scan3A_65 step %scan3A_66  : i32 {
      %mul3A_69 = arith.constant 5 : i32
      %mul3A_70 = arith.muli %mul3A_69, %scan3A_68 : i32
      %add3A_71 = arith.constant 0 : i32
      %add3A_72 = arith.addi %mul3A_70, %add3A_71 : i32
      %dma_wait3A = arith.constant 0 : i32
      %dma_wait3A_73 = arith.constant 0 : i32
      %dma_wait3A_74 = arith.constant 0 : i32
      %dma_wait3A_75 = arith.constant 0 : i32
      %dma_wait3A_76 = tpu.memref_slice %arg6[%dma_wait3A_73, %dma_wait3A_74, %dma_wait3A_75] : memref<5x128x64xf32, #tpu.memory_space<vmem>> -> memref<1x128x64xf32, #tpu.memory_space<vmem>>
      %dma_wait3A_77 = tpu.memref_squeeze %dma_wait3A_76 : memref<1x128x64xf32, #tpu.memory_space<vmem>> -> memref<128x64xf32, #tpu.memory_space<vmem>>
      %dma_wait3A_78 = arith.constant 0 : i32
      %dma_wait3A_79 = tpu.memref_slice %arg5[%dma_wait3A, %dma_wait3A_78] : memref<50x128xi32, #tpu.memory_space<vmem>> -> memref<1x128xi32, #tpu.memory_space<vmem>>
      %dma_wait3A_80 = tpu.memref_squeeze %dma_wait3A_79 : memref<1x128xi32, #tpu.memory_space<vmem>> -> memref<128xi32, #tpu.memory_space<vmem>>
      %dma_wait3A_81 = arith.constant 0 : i32
      %dma_wait3A_82 = arith.constant 0 : i32
      %dma_wait3A_83 = tpu.memref_slice %arg2[%dma_wait3A_81, %dma_wait3A_82] : memref<100000x64xf32, #tpu.memory_space<hbm>> -> memref<100000x64xf32, #tpu.memory_space<hbm>>
      tpu.wait_indirect_dma semaphore(%arg7 : memref<!tpu.dma_semaphore, #tpu.memory_space<semaphore_mem>>) src(%dma_wait3A_83 : memref<100000x64xf32, #tpu.memory_space<hbm>>) dst(%dma_wait3A_77 : memref<128x64xf32, #tpu.memory_space<vmem>>)
      %mul3A_84 = arith.constant 128 : i32
      %mul3A_85 = arith.muli %add3A_72, %mul3A_84 : i32
      %add3A_86 = arith.addi %mul3A_2, %mul3A_85 : i32
      %run_scoped3A = arith.constant 0 : i32
      "tpu.region"() ({
        %run_scoped3A_191 = tpu.sem_alloc : memref<!tpu.dma_semaphore, #tpu.memory_space<semaphore_mem>>
        %dma_start3A_192 = arith.constant 0 : i32
        %dma_start3A_193 = arith.constant 0 : i32
        %dma_start3A_194 = tpu.memref_slice %arg6[%run_scoped3A, %dma_start3A_192, %dma_start3A_193] : memref<5x128x64xf32, #tpu.memory_space<vmem>> -> memref<1x128x64xf32, #tpu.memory_space<vmem>>
        %dma_start3A_195 = tpu.memref_squeeze %dma_start3A_194 : memref<1x128x64xf32, #tpu.memory_space<vmem>> -> memref<128x64xf32, #tpu.memory_space<vmem>>
        %dma_start3A_196 = arith.constant 0 : i32
        %dma_start3A_197 = tpu.memref_slice %arg4[%add3A_86, %dma_start3A_196] : memref<204800x128xf32, #tpu.memory_space<hbm>> -> memref<128x64xf32, #tpu.memory_space<hbm>>
        %dma_start3A_198 = arith.constant 0 : i32
        %dma_start3A_199 = tpu.memref_slice %arg4[%add3A_86, %dma_start3A_198] : memref<204800x128xf32, #tpu.memory_space<hbm>> -> memref<128x64xf32, #tpu.memory_space<hbm>>
        %dma_start3A_200 = arith.constant 0 : i32
        %dma_start3A_201 = arith.constant 0 : i32
        %dma_start3A_202 = tpu.memref_slice %arg6[%run_scoped3A, %dma_start3A_200, %dma_start3A_201] : memref<5x128x64xf32, #tpu.memory_space<vmem>> -> memref<1x128x64xf32, #tpu.memory_space<vmem>>
        %dma_start3A_203 = tpu.memref_squeeze %dma_start3A_202 : memref<1x128x64xf32, #tpu.memory_space<vmem>> -> memref<128x64xf32, #tpu.memory_space<vmem>>
        tpu.enqueue_dma source(%dma_start3A_203 : memref<128x64xf32, #tpu.memory_space<vmem>>) target(%dma_start3A_199 : memref<128x64xf32, #tpu.memory_space<hbm>>) target_semaphore(%run_scoped3A_191 : memref<!tpu.dma_semaphore, #tpu.memory_space<semaphore_mem>>)
        %dma_wait3A_204 = arith.constant 0 : i32
        %dma_wait3A_205 = arith.constant 0 : i32
        %dma_wait3A_206 = tpu.memref_slice %arg6[%run_scoped3A, %dma_wait3A_204, %dma_wait3A_205] : memref<5x128x64xf32, #tpu.memory_space<vmem>> -> memref<1x128x64xf32, #tpu.memory_space<vmem>>
        %dma_wait3A_207 = tpu.memref_squeeze %dma_wait3A_206 : memref<1x128x64xf32, #tpu.memory_space<vmem>> -> memref<128x64xf32, #tpu.memory_space<vmem>>
        %dma_wait3A_208 = arith.constant 0 : i32
        %dma_wait3A_209 = tpu.memref_slice %arg4[%add3A_86, %dma_wait3A_208] : memref<204800x128xf32, #tpu.memory_space<hbm>> -> memref<128x64xf32, #tpu.memory_space<hbm>>
        %dma_wait3A_210 = arith.constant 0 : i32
        %dma_wait3A_211 = tpu.memref_slice %arg4[%add3A_86, %dma_wait3A_210] : memref<204800x128xf32, #tpu.memory_space<hbm>> -> memref<128x64xf32, #tpu.memory_space<hbm>>
        %dma_wait3A_212 = arith.constant 0 : i32
        %dma_wait3A_213 = arith.constant 0 : i32
        %dma_wait3A_214 = tpu.memref_slice %arg6[%run_scoped3A, %dma_wait3A_212, %dma_wait3A_213] : memref<5x128x64xf32, #tpu.memory_space<vmem>> -> memref<1x128x64xf32, #tpu.memory_space<vmem>>
        %dma_wait3A_215 = tpu.memref_squeeze %dma_wait3A_214 : memref<1x128x64xf32, #tpu.memory_space<vmem>> -> memref<128x64xf32, #tpu.memory_space<vmem>>
        tpu.wait_dma2 semaphore(%run_scoped3A_191 : memref<!tpu.dma_semaphore, #tpu.memory_space<semaphore_mem>>) src(%dma_wait3A_215 : memref<128x64xf32, #tpu.memory_space<vmem>>) dst(%dma_wait3A_211 : memref<128x64xf32, #tpu.memory_space<hbm>>)
        tpu.yield
      }) : () -> ()
      %add3A_87 = arith.constant 5 : i32
      %add3A_88 = arith.addi %add3A_72, %add3A_87 : i32
      %lt3A = arith.constant 50 : i32
      %lt3A_89 = arith.cmpi slt, %add3A_88, %lt3A : i32
      %convert_element_type3A = arith.extui %lt3A_89 : i1 to i32
      %cond3A = arith.constant 0 : i32
      %cond3A_90 = arith.cmpi ne, %convert_element_type3A, %cond3A : i32
      scf.if %cond3A_90 {
        %add3A_191 = arith.constant 5 : i32
        %add3A_192 = arith.addi %add3A_72, %add3A_191 : i32
        %dma_start3A_193 = arith.constant 0 : i32
        %dma_start3A_194 = arith.constant 0 : i32
        %dma_start3A_195 = arith.constant 0 : i32
        %dma_start3A_196 = tpu.memref_slice %arg6[%dma_start3A_193, %dma_start3A_194, %dma_start3A_195] : memref<5x128x64xf32, #tpu.memory_space<vmem>> -> memref<1x128x64xf32, #tpu.memory_space<vmem>>
        %dma_start3A_197 = tpu.memref_squeeze %dma_start3A_196 : memref<1x128x64xf32, #tpu.memory_space<vmem>> -> memref<128x64xf32, #tpu.memory_space<vmem>>
        %dma_start3A_198 = arith.constant 0 : i32
        %dma_start3A_199 = tpu.memref_slice %arg5[%add3A_192, %dma_start3A_198] : memref<50x128xi32, #tpu.memory_space<vmem>> -> memref<1x128xi32, #tpu.memory_space<vmem>>
        %dma_start3A_200 = tpu.memref_squeeze %dma_start3A_199 : memref<1x128xi32, #tpu.memory_space<vmem>> -> memref<128xi32, #tpu.memory_space<vmem>>
        %dma_start3A_201 = arith.constant 0 : i32
        %dma_start3A_202 = arith.constant 0 : i32
        %dma_start3A_203 = tpu.memref_slice %arg2[%dma_start3A_201, %dma_start3A_202] : memref<100000x64xf32, #tpu.memory_space<hbm>> -> memref<100000x64xf32, #tpu.memory_space<hbm>>
        tpu.enqueue_indirect_dma source(%dma_start3A_203 : memref<100000x64xf32, #tpu.memory_space<hbm>>) target(%dma_start3A_197 : memref<128x64xf32, #tpu.memory_space<vmem>>) offsets(%dma_start3A_200 : memref<128xi32, #tpu.memory_space<vmem>>) semaphore(%arg7 : memref<!tpu.dma_semaphore, #tpu.memory_space<semaphore_mem>>)
      } else {
      }
      %add3A_91 = arith.constant 1 : i32
      %add3A_92 = arith.addi %mul3A_70, %add3A_91 : i32
      %dma_wait3A_93 = arith.constant 0 : i32
      %dma_wait3A_94 = arith.constant 1 : i32
      %dma_wait3A_95 = arith.constant 0 : i32
      %dma_wait3A_96 = arith.constant 0 : i32
      %dma_wait3A_97 = tpu.memref_slice %arg6[%dma_wait3A_94, %dma_wait3A_95, %dma_wait3A_96] : memref<5x128x64xf32, #tpu.memory_space<vmem>> -> memref<1x128x64xf32, #tpu.memory_space<vmem>>
      %dma_wait3A_98 = tpu.memref_squeeze %dma_wait3A_97 : memref<1x128x64xf32, #tpu.memory_space<vmem>> -> memref<128x64xf32, #tpu.memory_space<vmem>>
      %dma_wait3A_99 = arith.constant 0 : i32
      %dma_wait3A_100 = tpu.memref_slice %arg5[%dma_wait3A_93, %dma_wait3A_99] : memref<50x128xi32, #tpu.memory_space<vmem>> -> memref<1x128xi32, #tpu.memory_space<vmem>>
      %dma_wait3A_101 = tpu.memref_squeeze %dma_wait3A_100 : memref<1x128xi32, #tpu.memory_space<vmem>> -> memref<128xi32, #tpu.memory_space<vmem>>
      %dma_wait3A_102 = arith.constant 0 : i32
      %dma_wait3A_103 = arith.constant 0 : i32
      %dma_wait3A_104 = tpu.memref_slice %arg2[%dma_wait3A_102, %dma_wait3A_103] : memref<100000x64xf32, #tpu.memory_space<hbm>> -> memref<100000x64xf32, #tpu.memory_space<hbm>>
      tpu.wait_indirect_dma semaphore(%arg8 : memref<!tpu.dma_semaphore, #tpu.memory_space<semaphore_mem>>) src(%dma_wait3A_104 : memref<100000x64xf32, #tpu.memory_space<hbm>>) dst(%dma_wait3A_98 : memref<128x64xf32, #tpu.memory_space<vmem>>)
      %mul3A_105 = arith.constant 128 : i32
      %mul3A_106 = arith.muli %add3A_92, %mul3A_105 : i32
      %add3A_107 = arith.addi %mul3A_2, %mul3A_106 : i32
      %run_scoped3A_108 = arith.constant 1 : i32
      "tpu.region"() ({
        %run_scoped3A_191 = tpu.sem_alloc : memref<!tpu.dma_semaphore, #tpu.memory_space<semaphore_mem>>
        %dma_start3A_192 = arith.constant 0 : i32
        %dma_start3A_193 = arith.constant 0 : i32
        %dma_start3A_194 = tpu.memref_slice %arg6[%run_scoped3A_108, %dma_start3A_192, %dma_start3A_193] : memref<5x128x64xf32, #tpu.memory_space<vmem>> -> memref<1x128x64xf32, #tpu.memory_space<vmem>>
        %dma_start3A_195 = tpu.memref_squeeze %dma_start3A_194 : memref<1x128x64xf32, #tpu.memory_space<vmem>> -> memref<128x64xf32, #tpu.memory_space<vmem>>
        %dma_start3A_196 = arith.constant 0 : i32
        %dma_start3A_197 = tpu.memref_slice %arg4[%add3A_107, %dma_start3A_196] : memref<204800x128xf32, #tpu.memory_space<hbm>> -> memref<128x64xf32, #tpu.memory_space<hbm>>
        %dma_start3A_198 = arith.constant 0 : i32
        %dma_start3A_199 = tpu.memref_slice %arg4[%add3A_107, %dma_start3A_198] : memref<204800x128xf32, #tpu.memory_space<hbm>> -> memref<128x64xf32, #tpu.memory_space<hbm>>
        %dma_start3A_200 = arith.constant 0 : i32
        %dma_start3A_201 = arith.constant 0 : i32
        %dma_start3A_202 = tpu.memref_slice %arg6[%run_scoped3A_108, %dma_start3A_200, %dma_start3A_201] : memref<5x128x64xf32, #tpu.memory_space<vmem>> -> memref<1x128x64xf32, #tpu.memory_space<vmem>>
        %dma_start3A_203 = tpu.memref_squeeze %dma_start3A_202 : memref<1x128x64xf32, #tpu.memory_space<vmem>> -> memref<128x64xf32, #tpu.memory_space<vmem>>
        tpu.enqueue_dma source(%dma_start3A_203 : memref<128x64xf32, #tpu.memory_space<vmem>>) target(%dma_start3A_199 : memref<128x64xf32, #tpu.memory_space<hbm>>) target_semaphore(%run_scoped3A_191 : memref<!tpu.dma_semaphore, #tpu.memory_space<semaphore_mem>>)
        %dma_wait3A_204 = arith.constant 0 : i32
        %dma_wait3A_205 = arith.constant 0 : i32
        %dma_wait3A_206 = tpu.memref_slice %arg6[%run_scoped3A_108, %dma_wait3A_204, %dma_wait3A_205] : memref<5x128x64xf32, #tpu.memory_space<vmem>> -> memref<1x128x64xf32, #tpu.memory_space<vmem>>
        %dma_wait3A_207 = tpu.memref_squeeze %dma_wait3A_206 : memref<1x128x64xf32, #tpu.memory_space<vmem>> -> memref<128x64xf32, #tpu.memory_space<vmem>>
        %dma_wait3A_208 = arith.constant 0 : i32
        %dma_wait3A_209 = tpu.memref_slice %arg4[%add3A_107, %dma_wait3A_208] : memref<204800x128xf32, #tpu.memory_space<hbm>> -> memref<128x64xf32, #tpu.memory_space<hbm>>
        %dma_wait3A_210 = arith.constant 0 : i32
        %dma_wait3A_211 = tpu.memref_slice %arg4[%add3A_107, %dma_wait3A_210] : memref<204800x128xf32, #tpu.memory_space<hbm>> -> memref<128x64xf32, #tpu.memory_space<hbm>>
        %dma_wait3A_212 = arith.constant 0 : i32
        %dma_wait3A_213 = arith.constant 0 : i32
        %dma_wait3A_214 = tpu.memref_slice %arg6[%run_scoped3A_108, %dma_wait3A_212, %dma_wait3A_213] : memref<5x128x64xf32, #tpu.memory_space<vmem>> -> memref<1x128x64xf32, #tpu.memory_space<vmem>>
        %dma_wait3A_215 = tpu.memref_squeeze %dma_wait3A_214 : memref<1x128x64xf32, #tpu.memory_space<vmem>> -> memref<128x64xf32, #tpu.memory_space<vmem>>
        tpu.wait_dma2 semaphore(%run_scoped3A_191 : memref<!tpu.dma_semaphore, #tpu.memory_space<semaphore_mem>>) src(%dma_wait3A_215 : memref<128x64xf32, #tpu.memory_space<vmem>>) dst(%dma_wait3A_211 : memref<128x64xf32, #tpu.memory_space<hbm>>)
        tpu.yield
      }) : () -> ()
      %add3A_109 = arith.constant 5 : i32
      %add3A_110 = arith.addi %add3A_92, %add3A_109 : i32
      %lt3A_111 = arith.constant 50 : i32
      %lt3A_112 = arith.cmpi slt, %add3A_110, %lt3A_111 : i32
      %convert_element_type3A_113 = arith.extui %lt3A_112 : i1 to i32
      %cond3A_114 = arith.constant 0 : i32
      %cond3A_115 = arith.cmpi ne, %convert_element_type3A_113, %cond3A_114 : i32
      scf.if %cond3A_115 {
        %add3A_191 = arith.constant 5 : i32
        %add3A_192 = arith.addi %add3A_92, %add3A_191 : i32
        %dma_start3A_193 = arith.constant 1 : i32
        %dma_start3A_194 = arith.constant 0 : i32
        %dma_start3A_195 = arith.constant 0 : i32
        %dma_start3A_196 = tpu.memref_slice %arg6[%dma_start3A_193, %dma_start3A_194, %dma_start3A_195] : memref<5x128x64xf32, #tpu.memory_space<vmem>> -> memref<1x128x64xf32, #tpu.memory_space<vmem>>
        %dma_start3A_197 = tpu.memref_squeeze %dma_start3A_196 : memref<1x128x64xf32, #tpu.memory_space<vmem>> -> memref<128x64xf32, #tpu.memory_space<vmem>>
        %dma_start3A_198 = arith.constant 0 : i32
        %dma_start3A_199 = tpu.memref_slice %arg5[%add3A_192, %dma_start3A_198] : memref<50x128xi32, #tpu.memory_space<vmem>> -> memref<1x128xi32, #tpu.memory_space<vmem>>
        %dma_start3A_200 = tpu.memref_squeeze %dma_start3A_199 : memref<1x128xi32, #tpu.memory_space<vmem>> -> memref<128xi32, #tpu.memory_space<vmem>>
        %dma_start3A_201 = arith.constant 0 : i32
        %dma_start3A_202 = arith.constant 0 : i32
        %dma_start3A_203 = tpu.memref_slice %arg2[%dma_start3A_201, %dma_start3A_202] : memref<100000x64xf32, #tpu.memory_space<hbm>> -> memref<100000x64xf32, #tpu.memory_space<hbm>>
        tpu.enqueue_indirect_dma source(%dma_start3A_203 : memref<100000x64xf32, #tpu.memory_space<hbm>>) target(%dma_start3A_197 : memref<128x64xf32, #tpu.memory_space<vmem>>) offsets(%dma_start3A_200 : memref<128xi32, #tpu.memory_space<vmem>>) semaphore(%arg8 : memref<!tpu.dma_semaphore, #tpu.memory_space<semaphore_mem>>)
      } else {
      }
      %add3A_116 = arith.constant 2 : i32
      %add3A_117 = arith.addi %mul3A_70, %add3A_116 : i32
      %dma_wait3A_118 = arith.constant 0 : i32
      %dma_wait3A_119 = arith.constant 2 : i32
      %dma_wait3A_120 = arith.constant 0 : i32
      %dma_wait3A_121 = arith.constant 0 : i32
      %dma_wait3A_122 = tpu.memref_slice %arg6[%dma_wait3A_119, %dma_wait3A_120, %dma_wait3A_121] : memref<5x128x64xf32, #tpu.memory_space<vmem>> -> memref<1x128x64xf32, #tpu.memory_space<vmem>>
      %dma_wait3A_123 = tpu.memref_squeeze %dma_wait3A_122 : memref<1x128x64xf32, #tpu.memory_space<vmem>> -> memref<128x64xf32, #tpu.memory_space<vmem>>
      %dma_wait3A_124 = arith.constant 0 : i32
      %dma_wait3A_125 = tpu.memref_slice %arg5[%dma_wait3A_118, %dma_wait3A_124] : memref<50x128xi32, #tpu.memory_space<vmem>> -> memref<1x128xi32, #tpu.memory_space<vmem>>
      %dma_wait3A_126 = tpu.memref_squeeze %dma_wait3A_125 : memref<1x128xi32, #tpu.memory_space<vmem>> -> memref<128xi32, #tpu.memory_space<vmem>>
      %dma_wait3A_127 = arith.constant 0 : i32
      %dma_wait3A_128 = arith.constant 0 : i32
      %dma_wait3A_129 = tpu.memref_slice %arg2[%dma_wait3A_127, %dma_wait3A_128] : memref<100000x64xf32, #tpu.memory_space<hbm>> -> memref<100000x64xf32, #tpu.memory_space<hbm>>
      tpu.wait_indirect_dma semaphore(%arg9 : memref<!tpu.dma_semaphore, #tpu.memory_space<semaphore_mem>>) src(%dma_wait3A_129 : memref<100000x64xf32, #tpu.memory_space<hbm>>) dst(%dma_wait3A_123 : memref<128x64xf32, #tpu.memory_space<vmem>>)
      %mul3A_130 = arith.constant 128 : i32
      %mul3A_131 = arith.muli %add3A_117, %mul3A_130 : i32
      %add3A_132 = arith.addi %mul3A_2, %mul3A_131 : i32
      %run_scoped3A_133 = arith.constant 2 : i32
      "tpu.region"() ({
        %run_scoped3A_191 = tpu.sem_alloc : memref<!tpu.dma_semaphore, #tpu.memory_space<semaphore_mem>>
        %dma_start3A_192 = arith.constant 0 : i32
        %dma_start3A_193 = arith.constant 0 : i32
        %dma_start3A_194 = tpu.memref_slice %arg6[%run_scoped3A_133, %dma_start3A_192, %dma_start3A_193] : memref<5x128x64xf32, #tpu.memory_space<vmem>> -> memref<1x128x64xf32, #tpu.memory_space<vmem>>
        %dma_start3A_195 = tpu.memref_squeeze %dma_start3A_194 : memref<1x128x64xf32, #tpu.memory_space<vmem>> -> memref<128x64xf32, #tpu.memory_space<vmem>>
        %dma_start3A_196 = arith.constant 0 : i32
        %dma_start3A_197 = tpu.memref_slice %arg4[%add3A_132, %dma_start3A_196] : memref<204800x128xf32, #tpu.memory_space<hbm>> -> memref<128x64xf32, #tpu.memory_space<hbm>>
        %dma_start3A_198 = arith.constant 0 : i32
        %dma_start3A_199 = tpu.memref_slice %arg4[%add3A_132, %dma_start3A_198] : memref<204800x128xf32, #tpu.memory_space<hbm>> -> memref<128x64xf32, #tpu.memory_space<hbm>>
        %dma_start3A_200 = arith.constant 0 : i32
        %dma_start3A_201 = arith.constant 0 : i32
        %dma_start3A_202 = tpu.memref_slice %arg6[%run_scoped3A_133, %dma_start3A_200, %dma_start3A_201] : memref<5x128x64xf32, #tpu.memory_space<vmem>> -> memref<1x128x64xf32, #tpu.memory_space<vmem>>
        %dma_start3A_203 = tpu.memref_squeeze %dma_start3A_202 : memref<1x128x64xf32, #tpu.memory_space<vmem>> -> memref<128x64xf32, #tpu.memory_space<vmem>>
        tpu.enqueue_dma source(%dma_start3A_203 : memref<128x64xf32, #tpu.memory_space<vmem>>) target(%dma_start3A_199 : memref<128x64xf32, #tpu.memory_space<hbm>>) target_semaphore(%run_scoped3A_191 : memref<!tpu.dma_semaphore, #tpu.memory_space<semaphore_mem>>)
        %dma_wait3A_204 = arith.constant 0 : i32
        %dma_wait3A_205 = arith.constant 0 : i32
        %dma_wait3A_206 = tpu.memref_slice %arg6[%run_scoped3A_133, %dma_wait3A_204, %dma_wait3A_205] : memref<5x128x64xf32, #tpu.memory_space<vmem>> -> memref<1x128x64xf32, #tpu.memory_space<vmem>>
        %dma_wait3A_207 = tpu.memref_squeeze %dma_wait3A_206 : memref<1x128x64xf32, #tpu.memory_space<vmem>> -> memref<128x64xf32, #tpu.memory_space<vmem>>
        %dma_wait3A_208 = arith.constant 0 : i32
        %dma_wait3A_209 = tpu.memref_slice %arg4[%add3A_132, %dma_wait3A_208] : memref<204800x128xf32, #tpu.memory_space<hbm>> -> memref<128x64xf32, #tpu.memory_space<hbm>>
        %dma_wait3A_210 = arith.constant 0 : i32
        %dma_wait3A_211 = tpu.memref_slice %arg4[%add3A_132, %dma_wait3A_210] : memref<204800x128xf32, #tpu.memory_space<hbm>> -> memref<128x64xf32, #tpu.memory_space<hbm>>
        %dma_wait3A_212 = arith.constant 0 : i32
        %dma_wait3A_213 = arith.constant 0 : i32
        %dma_wait3A_214 = tpu.memref_slice %arg6[%run_scoped3A_133, %dma_wait3A_212, %dma_wait3A_213] : memref<5x128x64xf32, #tpu.memory_space<vmem>> -> memref<1x128x64xf32, #tpu.memory_space<vmem>>
        %dma_wait3A_215 = tpu.memref_squeeze %dma_wait3A_214 : memref<1x128x64xf32, #tpu.memory_space<vmem>> -> memref<128x64xf32, #tpu.memory_space<vmem>>
        tpu.wait_dma2 semaphore(%run_scoped3A_191 : memref<!tpu.dma_semaphore, #tpu.memory_space<semaphore_mem>>) src(%dma_wait3A_215 : memref<128x64xf32, #tpu.memory_space<vmem>>) dst(%dma_wait3A_211 : memref<128x64xf32, #tpu.memory_space<hbm>>)
        tpu.yield
      }) : () -> ()
      %add3A_134 = arith.constant 5 : i32
      %add3A_135 = arith.addi %add3A_117, %add3A_134 : i32
      %lt3A_136 = arith.constant 50 : i32
      %lt3A_137 = arith.cmpi slt, %add3A_135, %lt3A_136 : i32
      %convert_element_type3A_138 = arith.extui %lt3A_137 : i1 to i32
      %cond3A_139 = arith.constant 0 : i32
      %cond3A_140 = arith.cmpi ne, %convert_element_type3A_138, %cond3A_139 : i32
      scf.if %cond3A_140 {
        %add3A_191 = arith.constant 5 : i32
        %add3A_192 = arith.addi %add3A_117, %add3A_191 : i32
        %dma_start3A_193 = arith.constant 2 : i32
        %dma_start3A_194 = arith.constant 0 : i32
        %dma_start3A_195 = arith.constant 0 : i32
        %dma_start3A_196 = tpu.memref_slice %arg6[%dma_start3A_193, %dma_start3A_194, %dma_start3A_195] : memref<5x128x64xf32, #tpu.memory_space<vmem>> -> memref<1x128x64xf32, #tpu.memory_space<vmem>>
        %dma_start3A_197 = tpu.memref_squeeze %dma_start3A_196 : memref<1x128x64xf32, #tpu.memory_space<vmem>> -> memref<128x64xf32, #tpu.memory_space<vmem>>
        %dma_start3A_198 = arith.constant 0 : i32
        %dma_start3A_199 = tpu.memref_slice %arg5[%add3A_192, %dma_start3A_198] : memref<50x128xi32, #tpu.memory_space<vmem>> -> memref<1x128xi32, #tpu.memory_space<vmem>>
        %dma_start3A_200 = tpu.memref_squeeze %dma_start3A_199 : memref<1x128xi32, #tpu.memory_space<vmem>> -> memref<128xi32, #tpu.memory_space<vmem>>
        %dma_start3A_201 = arith.constant 0 : i32
        %dma_start3A_202 = arith.constant 0 : i32
        %dma_start3A_203 = tpu.memref_slice %arg2[%dma_start3A_201, %dma_start3A_202] : memref<100000x64xf32, #tpu.memory_space<hbm>> -> memref<100000x64xf32, #tpu.memory_space<hbm>>
        tpu.enqueue_indirect_dma source(%dma_start3A_203 : memref<100000x64xf32, #tpu.memory_space<hbm>>) target(%dma_start3A_197 : memref<128x64xf32, #tpu.memory_space<vmem>>) offsets(%dma_start3A_200 : memref<128xi32, #tpu.memory_space<vmem>>) semaphore(%arg9 : memref<!tpu.dma_semaphore, #tpu.memory_space<semaphore_mem>>)
      } else {
      }
      %add3A_141 = arith.constant 3 : i32
      %add3A_142 = arith.addi %mul3A_70, %add3A_141 : i32
      %dma_wait3A_143 = arith.constant 0 : i32
      %dma_wait3A_144 = arith.constant 3 : i32
      %dma_wait3A_145 = arith.constant 0 : i32
      %dma_wait3A_146 = arith.constant 0 : i32
      %dma_wait3A_147 = tpu.memref_slice %arg6[%dma_wait3A_144, %dma_wait3A_145, %dma_wait3A_146] : memref<5x128x64xf32, #tpu.memory_space<vmem>> -> memref<1x128x64xf32, #tpu.memory_space<vmem>>
      %dma_wait3A_148 = tpu.memref_squeeze %dma_wait3A_147 : memref<1x128x64xf32, #tpu.memory_space<vmem>> -> memref<128x64xf32, #tpu.memory_space<vmem>>
      %dma_wait3A_149 = arith.constant 0 : i32
      %dma_wait3A_150 = tpu.memref_slice %arg5[%dma_wait3A_143, %dma_wait3A_149] : memref<50x128xi32, #tpu.memory_space<vmem>> -> memref<1x128xi32, #tpu.memory_space<vmem>>
      %dma_wait3A_151 = tpu.memref_squeeze %dma_wait3A_150 : memref<1x128xi32, #tpu.memory_space<vmem>> -> memref<128xi32, #tpu.memory_space<vmem>>
      %dma_wait3A_152 = arith.constant 0 : i32
      %dma_wait3A_153 = arith.constant 0 : i32
      %dma_wait3A_154 = tpu.memref_slice %arg2[%dma_wait3A_152, %dma_wait3A_153] : memref<100000x64xf32, #tpu.memory_space<hbm>> -> memref<100000x64xf32, #tpu.memory_space<hbm>>
      tpu.wait_indirect_dma semaphore(%arg10 : memref<!tpu.dma_semaphore, #tpu.memory_space<semaphore_mem>>) src(%dma_wait3A_154 : memref<100000x64xf32, #tpu.memory_space<hbm>>) dst(%dma_wait3A_148 : memref<128x64xf32, #tpu.memory_space<vmem>>)
      %mul3A_155 = arith.constant 128 : i32
      %mul3A_156 = arith.muli %add3A_142, %mul3A_155 : i32
      %add3A_157 = arith.addi %mul3A_2, %mul3A_156 : i32
      %run_scoped3A_158 = arith.constant 3 : i32
      "tpu.region"() ({
        %run_scoped3A_191 = tpu.sem_alloc : memref<!tpu.dma_semaphore, #tpu.memory_space<semaphore_mem>>
        %dma_start3A_192 = arith.constant 0 : i32
        %dma_start3A_193 = arith.constant 0 : i32
        %dma_start3A_194 = tpu.memref_slice %arg6[%run_scoped3A_158, %dma_start3A_192, %dma_start3A_193] : memref<5x128x64xf32, #tpu.memory_space<vmem>> -> memref<1x128x64xf32, #tpu.memory_space<vmem>>
        %dma_start3A_195 = tpu.memref_squeeze %dma_start3A_194 : memref<1x128x64xf32, #tpu.memory_space<vmem>> -> memref<128x64xf32, #tpu.memory_space<vmem>>
        %dma_start3A_196 = arith.constant 0 : i32
        %dma_start3A_197 = tpu.memref_slice %arg4[%add3A_157, %dma_start3A_196] : memref<204800x128xf32, #tpu.memory_space<hbm>> -> memref<128x64xf32, #tpu.memory_space<hbm>>
        %dma_start3A_198 = arith.constant 0 : i32
        %dma_start3A_199 = tpu.memref_slice %arg4[%add3A_157, %dma_start3A_198] : memref<204800x128xf32, #tpu.memory_space<hbm>> -> memref<128x64xf32, #tpu.memory_space<hbm>>
        %dma_start3A_200 = arith.constant 0 : i32
        %dma_start3A_201 = arith.constant 0 : i32
        %dma_start3A_202 = tpu.memref_slice %arg6[%run_scoped3A_158, %dma_start3A_200, %dma_start3A_201] : memref<5x128x64xf32, #tpu.memory_space<vmem>> -> memref<1x128x64xf32, #tpu.memory_space<vmem>>
        %dma_start3A_203 = tpu.memref_squeeze %dma_start3A_202 : memref<1x128x64xf32, #tpu.memory_space<vmem>> -> memref<128x64xf32, #tpu.memory_space<vmem>>
        tpu.enqueue_dma source(%dma_start3A_203 : memref<128x64xf32, #tpu.memory_space<vmem>>) target(%dma_start3A_199 : memref<128x64xf32, #tpu.memory_space<hbm>>) target_semaphore(%run_scoped3A_191 : memref<!tpu.dma_semaphore, #tpu.memory_space<semaphore_mem>>)
        %dma_wait3A_204 = arith.constant 0 : i32
        %dma_wait3A_205 = arith.constant 0 : i32
        %dma_wait3A_206 = tpu.memref_slice %arg6[%run_scoped3A_158, %dma_wait3A_204, %dma_wait3A_205] : memref<5x128x64xf32, #tpu.memory_space<vmem>> -> memref<1x128x64xf32, #tpu.memory_space<vmem>>
        %dma_wait3A_207 = tpu.memref_squeeze %dma_wait3A_206 : memref<1x128x64xf32, #tpu.memory_space<vmem>> -> memref<128x64xf32, #tpu.memory_space<vmem>>
        %dma_wait3A_208 = arith.constant 0 : i32
        %dma_wait3A_209 = tpu.memref_slice %arg4[%add3A_157, %dma_wait3A_208] : memref<204800x128xf32, #tpu.memory_space<hbm>> -> memref<128x64xf32, #tpu.memory_space<hbm>>
        %dma_wait3A_210 = arith.constant 0 : i32
        %dma_wait3A_211 = tpu.memref_slice %arg4[%add3A_157, %dma_wait3A_210] : memref<204800x128xf32, #tpu.memory_space<hbm>> -> memref<128x64xf32, #tpu.memory_space<hbm>>
        %dma_wait3A_212 = arith.constant 0 : i32
        %dma_wait3A_213 = arith.constant 0 : i32
        %dma_wait3A_214 = tpu.memref_slice %arg6[%run_scoped3A_158, %dma_wait3A_212, %dma_wait3A_213] : memref<5x128x64xf32, #tpu.memory_space<vmem>> -> memref<1x128x64xf32, #tpu.memory_space<vmem>>
        %dma_wait3A_215 = tpu.memref_squeeze %dma_wait3A_214 : memref<1x128x64xf32, #tpu.memory_space<vmem>> -> memref<128x64xf32, #tpu.memory_space<vmem>>
        tpu.wait_dma2 semaphore(%run_scoped3A_191 : memref<!tpu.dma_semaphore, #tpu.memory_space<semaphore_mem>>) src(%dma_wait3A_215 : memref<128x64xf32, #tpu.memory_space<vmem>>) dst(%dma_wait3A_211 : memref<128x64xf32, #tpu.memory_space<hbm>>)
        tpu.yield
      }) : () -> ()
      %add3A_159 = arith.constant 5 : i32
      %add3A_160 = arith.addi %add3A_142, %add3A_159 : i32
      %lt3A_161 = arith.constant 50 : i32
      %lt3A_162 = arith.cmpi slt, %add3A_160, %lt3A_161 : i32
      %convert_element_type3A_163 = arith.extui %lt3A_162 : i1 to i32
      %cond3A_164 = arith.constant 0 : i32
      %cond3A_165 = arith.cmpi ne, %convert_element_type3A_163, %cond3A_164 : i32
      scf.if %cond3A_165 {
        %add3A_191 = arith.constant 5 : i32
        %add3A_192 = arith.addi %add3A_142, %add3A_191 : i32
        %dma_start3A_193 = arith.constant 3 : i32
        %dma_start3A_194 = arith.constant 0 : i32
        %dma_start3A_195 = arith.constant 0 : i32
        %dma_start3A_196 = tpu.memref_slice %arg6[%dma_start3A_193, %dma_start3A_194, %dma_start3A_195] : memref<5x128x64xf32, #tpu.memory_space<vmem>> -> memref<1x128x64xf32, #tpu.memory_space<vmem>>
        %dma_start3A_197 = tpu.memref_squeeze %dma_start3A_196 : memref<1x128x64xf32, #tpu.memory_space<vmem>> -> memref<128x64xf32, #tpu.memory_space<vmem>>
        %dma_start3A_198 = arith.constant 0 : i32
        %dma_start3A_199 = tpu.memref_slice %arg5[%add3A_192, %dma_start3A_198] : memref<50x128xi32, #tpu.memory_space<vmem>> -> memref<1x128xi32, #tpu.memory_space<vmem>>
        %dma_start3A_200 = tpu.memref_squeeze %dma_start3A_199 : memref<1x128xi32, #tpu.memory_space<vmem>> -> memref<128xi32, #tpu.memory_space<vmem>>
        %dma_start3A_201 = arith.constant 0 : i32
        %dma_start3A_202 = arith.constant 0 : i32
        %dma_start3A_203 = tpu.memref_slice %arg2[%dma_start3A_201, %dma_start3A_202] : memref<100000x64xf32, #tpu.memory_space<hbm>> -> memref<100000x64xf32, #tpu.memory_space<hbm>>
        tpu.enqueue_indirect_dma source(%dma_start3A_203 : memref<100000x64xf32, #tpu.memory_space<hbm>>) target(%dma_start3A_197 : memref<128x64xf32, #tpu.memory_space<vmem>>) offsets(%dma_start3A_200 : memref<128xi32, #tpu.memory_space<vmem>>) semaphore(%arg10 : memref<!tpu.dma_semaphore, #tpu.memory_space<semaphore_mem>>)
      } else {
      }
      %add3A_166 = arith.constant 4 : i32
      %add3A_167 = arith.addi %mul3A_70, %add3A_166 : i32
      %dma_wait3A_168 = arith.constant 0 : i32
      %dma_wait3A_169 = arith.constant 4 : i32
      %dma_wait3A_170 = arith.constant 0 : i32
      %dma_wait3A_171 = arith.constant 0 : i32
      %dma_wait3A_172 = tpu.memref_slice %arg6[%dma_wait3A_169, %dma_wait3A_170, %dma_wait3A_171] : memref<5x128x64xf32, #tpu.memory_space<vmem>> -> memref<1x128x64xf32, #tpu.memory_space<vmem>>
      %dma_wait3A_173 = tpu.memref_squeeze %dma_wait3A_172 : memref<1x128x64xf32, #tpu.memory_space<vmem>> -> memref<128x64xf32, #tpu.memory_space<vmem>>
      %dma_wait3A_174 = arith.constant 0 : i32
      %dma_wait3A_175 = tpu.memref_slice %arg5[%dma_wait3A_168, %dma_wait3A_174] : memref<50x128xi32, #tpu.memory_space<vmem>> -> memref<1x128xi32, #tpu.memory_space<vmem>>
      %dma_wait3A_176 = tpu.memref_squeeze %dma_wait3A_175 : memref<1x128xi32, #tpu.memory_space<vmem>> -> memref<128xi32, #tpu.memory_space<vmem>>
      %dma_wait3A_177 = arith.constant 0 : i32
      %dma_wait3A_178 = arith.constant 0 : i32
      %dma_wait3A_179 = tpu.memref_slice %arg2[%dma_wait3A_177, %dma_wait3A_178] : memref<100000x64xf32, #tpu.memory_space<hbm>> -> memref<100000x64xf32, #tpu.memory_space<hbm>>
      tpu.wait_indirect_dma semaphore(%arg11 : memref<!tpu.dma_semaphore, #tpu.memory_space<semaphore_mem>>) src(%dma_wait3A_179 : memref<100000x64xf32, #tpu.memory_space<hbm>>) dst(%dma_wait3A_173 : memref<128x64xf32, #tpu.memory_space<vmem>>)
      %mul3A_180 = arith.constant 128 : i32
      %mul3A_181 = arith.muli %add3A_167, %mul3A_180 : i32
      %add3A_182 = arith.addi %mul3A_2, %mul3A_181 : i32
      %run_scoped3A_183 = arith.constant 4 : i32
      "tpu.region"() ({
        %run_scoped3A_191 = tpu.sem_alloc : memref<!tpu.dma_semaphore, #tpu.memory_space<semaphore_mem>>
        %dma_start3A_192 = arith.constant 0 : i32
        %dma_start3A_193 = arith.constant 0 : i32
        %dma_start3A_194 = tpu.memref_slice %arg6[%run_scoped3A_183, %dma_start3A_192, %dma_start3A_193] : memref<5x128x64xf32, #tpu.memory_space<vmem>> -> memref<1x128x64xf32, #tpu.memory_space<vmem>>
        %dma_start3A_195 = tpu.memref_squeeze %dma_start3A_194 : memref<1x128x64xf32, #tpu.memory_space<vmem>> -> memref<128x64xf32, #tpu.memory_space<vmem>>
        %dma_start3A_196 = arith.constant 0 : i32
        %dma_start3A_197 = tpu.memref_slice %arg4[%add3A_182, %dma_start3A_196] : memref<204800x128xf32, #tpu.memory_space<hbm>> -> memref<128x64xf32, #tpu.memory_space<hbm>>
        %dma_start3A_198 = arith.constant 0 : i32
        %dma_start3A_199 = tpu.memref_slice %arg4[%add3A_182, %dma_start3A_198] : memref<204800x128xf32, #tpu.memory_space<hbm>> -> memref<128x64xf32, #tpu.memory_space<hbm>>
        %dma_start3A_200 = arith.constant 0 : i32
        %dma_start3A_201 = arith.constant 0 : i32
        %dma_start3A_202 = tpu.memref_slice %arg6[%run_scoped3A_183, %dma_start3A_200, %dma_start3A_201] : memref<5x128x64xf32, #tpu.memory_space<vmem>> -> memref<1x128x64xf32, #tpu.memory_space<vmem>>
        %dma_start3A_203 = tpu.memref_squeeze %dma_start3A_202 : memref<1x128x64xf32, #tpu.memory_space<vmem>> -> memref<128x64xf32, #tpu.memory_space<vmem>>
        tpu.enqueue_dma source(%dma_start3A_203 : memref<128x64xf32, #tpu.memory_space<vmem>>) target(%dma_start3A_199 : memref<128x64xf32, #tpu.memory_space<hbm>>) target_semaphore(%run_scoped3A_191 : memref<!tpu.dma_semaphore, #tpu.memory_space<semaphore_mem>>)
        %dma_wait3A_204 = arith.constant 0 : i32
        %dma_wait3A_205 = arith.constant 0 : i32
        %dma_wait3A_206 = tpu.memref_slice %arg6[%run_scoped3A_183, %dma_wait3A_204, %dma_wait3A_205] : memref<5x128x64xf32, #tpu.memory_space<vmem>> -> memref<1x128x64xf32, #tpu.memory_space<vmem>>
        %dma_wait3A_207 = tpu.memref_squeeze %dma_wait3A_206 : memref<1x128x64xf32, #tpu.memory_space<vmem>> -> memref<128x64xf32, #tpu.memory_space<vmem>>
        %dma_wait3A_208 = arith.constant 0 : i32
        %dma_wait3A_209 = tpu.memref_slice %arg4[%add3A_182, %dma_wait3A_208] : memref<204800x128xf32, #tpu.memory_space<hbm>> -> memref<128x64xf32, #tpu.memory_space<hbm>>
        %dma_wait3A_210 = arith.constant 0 : i32
        %dma_wait3A_211 = tpu.memref_slice %arg4[%add3A_182, %dma_wait3A_210] : memref<204800x128xf32, #tpu.memory_space<hbm>> -> memref<128x64xf32, #tpu.memory_space<hbm>>
        %dma_wait3A_212 = arith.constant 0 : i32
        %dma_wait3A_213 = arith.constant 0 : i32
        %dma_wait3A_214 = tpu.memref_slice %arg6[%run_scoped3A_183, %dma_wait3A_212, %dma_wait3A_213] : memref<5x128x64xf32, #tpu.memory_space<vmem>> -> memref<1x128x64xf32, #tpu.memory_space<vmem>>
        %dma_wait3A_215 = tpu.memref_squeeze %dma_wait3A_214 : memref<1x128x64xf32, #tpu.memory_space<vmem>> -> memref<128x64xf32, #tpu.memory_space<vmem>>
        tpu.wait_dma2 semaphore(%run_scoped3A_191 : memref<!tpu.dma_semaphore, #tpu.memory_space<semaphore_mem>>) src(%dma_wait3A_215 : memref<128x64xf32, #tpu.memory_space<vmem>>) dst(%dma_wait3A_211 : memref<128x64xf32, #tpu.memory_space<hbm>>)
        tpu.yield
      }) : () -> ()
      %add3A_184 = arith.constant 5 : i32
      %add3A_185 = arith.addi %add3A_167, %add3A_184 : i32
      %lt3A_186 = arith.constant 50 : i32
      %lt3A_187 = arith.cmpi slt, %add3A_185, %lt3A_186 : i32
      %convert_element_type3A_188 = arith.extui %lt3A_187 : i1 to i32
      %cond3A_189 = arith.constant 0 : i32
      %cond3A_190 = arith.cmpi ne, %convert_element_type3A_188, %cond3A_189 : i32
      scf.if %cond3A_190 {
        %add3A_191 = arith.constant 5 : i32
        %add3A_192 = arith.addi %add3A_167, %add3A_191 : i32
        %dma_start3A_193 = arith.constant 4 : i32
        %dma_start3A_194 = arith.constant 0 : i32
        %dma_start3A_195 = arith.constant 0 : i32
        %dma_start3A_196 = tpu.memref_slice %arg6[%dma_start3A_193, %dma_start3A_194, %dma_start3A_195] : memref<5x128x64xf32, #tpu.memory_space<vmem>> -> memref<1x128x64xf32, #tpu.memory_space<vmem>>
        %dma_start3A_197 = tpu.memref_squeeze %dma_start3A_196 : memref<1x128x64xf32, #tpu.memory_space<vmem>> -> memref<128x64xf32, #tpu.memory_space<vmem>>
        %dma_start3A_198 = arith.constant 0 : i32
        %dma_start3A_199 = tpu.memref_slice %arg5[%add3A_192, %dma_start3A_198] : memref<50x128xi32, #tpu.memory_space<vmem>> -> memref<1x128xi32, #tpu.memory_space<vmem>>
        %dma_start3A_200 = tpu.memref_squeeze %dma_start3A_199 : memref<1x128xi32, #tpu.memory_space<vmem>> -> memref<128xi32, #tpu.memory_space<vmem>>
        %dma_start3A_201 = arith.constant 0 : i32
        %dma_start3A_202 = arith.constant 0 : i32
        %dma_start3A_203 = tpu.memref_slice %arg2[%dma_start3A_201, %dma_start3A_202] : memref<100000x64xf32, #tpu.memory_space<hbm>> -> memref<100000x64xf32, #tpu.memory_space<hbm>>
        tpu.enqueue_indirect_dma source(%dma_start3A_203 : memref<100000x64xf32, #tpu.memory_space<hbm>>) target(%dma_start3A_197 : memref<128x64xf32, #tpu.memory_space<vmem>>) offsets(%dma_start3A_200 : memref<128xi32, #tpu.memory_space<vmem>>) semaphore(%arg11 : memref<!tpu.dma_semaphore, #tpu.memory_space<semaphore_mem>>)
      } else {
      }
    }
    %scan3A_67 = arith.constant 10 : i32
    return
  }
}

module attributes {stable_mosaic.version = 14 : i64} {
  func.func @body(%arg0: i32, %arg1: memref<200x1024xi32, #tpu.memory_space<vmem>>, %arg2: memref<1600x128xi32, #tpu.memory_space<vmem>>) attributes {dimension_semantics = [#tpu.dimension_semantics<arbitrary>], iteration_bounds = array<i64: 1>, scalar_prefetch = 0 : i64, scratch_operands = 0 : i64, tpu.core_type = #tpu.core_type<tc>, window_params = [{pipeline_mode = #tpu.pipeline_mode<synchronous>, transform_indices = @transform_0, window_bounds = array<i64: 200, 1024>}, {pipeline_mode = #tpu.pipeline_mode<synchronous>, transform_indices = @transform_1, window_bounds = array<i64: 1600, 128>}]} {
    %get3A = arith.constant 0 : index
    %get3A_0 = arith.constant 0 : index
    %get3A_1 = vector.load %arg1[%get3A, %get3A_0] : memref<200x1024xi32, #tpu.memory_space<vmem>>, vector<200x1024xi32>
    %reshape3A = vector.shape_cast %get3A_1 : vector<200x1024xi32> to vector<1600x128xi32>
    %swap3A = arith.constant 0 : index
    %swap3A_2 = arith.constant 0 : index
    %swap3A_3 = vector.load %arg2[%swap3A, %swap3A_2] : memref<1600x128xi32, #tpu.memory_space<vmem>>, vector<1600x128xi32>
    tpu.vector_store %arg2[%swap3A, %swap3A_2], %reshape3A {strides = array<i32>} : memref<1600x128xi32, #tpu.memory_space<vmem>>, vector<1600x128xi32>,
    return
  }
  func.func @transform_0(%arg0: i32) -> (i32, i32) {
    %c0_i32 = arith.constant 0 : i32
    %c0_i32_0 = arith.constant 0 : i32
    %c0_i32_1 = arith.constant 0 : i32
    return %c0_i32, %c0_i32_0 : i32, i32
  }
  func.func @transform_1(%arg0: i32) -> (i32, i32) {
    %c0_i32 = arith.constant 0 : i32
    %c0_i32_0 = arith.constant 0 : i32
    %c0_i32_1 = arith.constant 0 : i32
    return %c0_i32, %c0_i32_0 : i32, i32
  }
}

module attributes {stable_mosaic.version = 14 : i64} {
  func.func @_gru_body(%arg0: i32, %arg1: memref<8192x128xf32, #tpu.memory_space<vmem>>, %arg2: memref<8192x128xf32, #tpu.memory_space<vmem>>, %arg3: memref<192x256xbf16, #tpu.memory_space<vmem>>, %arg4: memref<128x128xbf16, #tpu.memory_space<vmem>>, %arg5: memref<64x128xbf16, #tpu.memory_space<vmem>>, %arg6: memref<1x256xf32, #tpu.memory_space<vmem>>, %arg7: memref<1x128xf32, #tpu.memory_space<vmem>>, %arg8: memref<1x128xf32, #tpu.memory_space<vmem>>, %arg9: memref<192x256xbf16, #tpu.memory_space<vmem>>, %arg10: memref<128x128xbf16, #tpu.memory_space<vmem>>, %arg11: memref<64x128xbf16, #tpu.memory_space<vmem>>, %arg12: memref<1x256xf32, #tpu.memory_space<vmem>>, %arg13: memref<1x128xf32, #tpu.memory_space<vmem>>, %arg14: memref<1x128xf32, #tpu.memory_space<vmem>>, %arg15: memref<2x1024x128xf32, #tpu.memory_space<vmem>>, %arg16: memref<1024x128xf32, #tpu.memory_space<vmem>>, %arg17: memref<1024x128xf32, #tpu.memory_space<vmem>>) attributes {dimension_semantics = [#tpu.dimension_semantics<arbitrary>], iteration_bounds = array<i64: 25>, scalar_prefetch = 0 : i64, scratch_operands = 2 : i64, tpu.core_type = #tpu.core_type<tc>, window_params = [{transform_indices = @transform_0, window_bounds = array<i64: 8192, 128>}, {transform_indices = @transform_1, window_bounds = array<i64: 8192, 128>}, {pipeline_mode = #tpu.pipeline_mode<synchronous>, transform_indices = @transform_2, window_bounds = array<i64: 192, 256>}, {pipeline_mode = #tpu.pipeline_mode<synchronous>, transform_indices = @transform_3, window_bounds = array<i64: 128, 128>}, {pipeline_mode = #tpu.pipeline_mode<synchronous>, transform_indices = @transform_4, window_bounds = array<i64: 64, 128>}, {pipeline_mode = #tpu.pipeline_mode<synchronous>, transform_indices = @transform_5, window_bounds = array<i64: 1, 256>}, {pipeline_mode = #tpu.pipeline_mode<synchronous>, transform_indices = @transform_6, window_bounds = array<i64: 1, 128>}, {pipeline_mode = #tpu.pipeline_mode<synchronous>, transform_indices = @transform_7, window_bounds = array<i64: 1, 128>}, {pipeline_mode = #tpu.pipeline_mode<synchronous>, transform_indices = @transform_8, window_bounds = array<i64: 192, 256>}, {pipeline_mode = #tpu.pipeline_mode<synchronous>, transform_indices = @transform_9, window_bounds = array<i64: 128, 128>}, {pipeline_mode = #tpu.pipeline_mode<synchronous>, transform_indices = @transform_10, window_bounds = array<i64: 64, 128>}, {pipeline_mode = #tpu.pipeline_mode<synchronous>, transform_indices = @transform_11, window_bounds = array<i64: 1, 256>}, {pipeline_mode = #tpu.pipeline_mode<synchronous>, transform_indices = @transform_12, window_bounds = array<i64: 1, 128>}, {pipeline_mode = #tpu.pipeline_mode<synchronous>, transform_indices = @transform_13, window_bounds = array<i64: 1, 128>}, {pipeline_mode = #tpu.pipeline_mode<synchronous>, transform_indices = @transform_14, window_bounds = array<i64: 2, 1024, 128>}]} {
    %eq3A = arith.constant 0 : i32
    %eq3A_0 = arith.cmpi eq, %arg0, %eq3A : i32
    %convert_element_type3A = arith.extui %eq3A_0 : i1 to i32
    %cond3A = arith.constant 0 : i32
    %cond3A_1 = arith.cmpi ne, %convert_element_type3A, %cond3A : i32
    scf.if %cond3A_1 {
      %broadcast_in_dim3A = arith.constant 0.000000e+00 : f32
      %broadcast_in_dim3A_1006 = vector.broadcast %broadcast_in_dim3A : f32 to vector<1024x128xf32>
      %swap3A_1007 = arith.constant 0 : index
      %swap3A_1008 = arith.constant 0 : index
      %swap3A_1009 = vector.load %arg16[%swap3A_1007, %swap3A_1008] : memref<1024x128xf32, #tpu.memory_space<vmem>>, vector<1024x128xf32>
      tpu.vector_store %arg16[%swap3A_1007, %swap3A_1008], %broadcast_in_dim3A_1006 {strides = array<i32>} : memref<1024x128xf32, #tpu.memory_space<vmem>>, vector<1024x128xf32>,
      %broadcast_in_dim3A_1010 = arith.constant 0.000000e+00 : f32
      %broadcast_in_dim3A_1011 = vector.broadcast %broadcast_in_dim3A_1010 : f32 to vector<1024x128xf32>
      %swap3A_1012 = arith.constant 0 : index
      %swap3A_1013 = arith.constant 0 : index
      %swap3A_1014 = vector.load %arg17[%swap3A_1012, %swap3A_1013] : memref<1024x128xf32, #tpu.memory_space<vmem>>, vector<1024x128xf32>
      tpu.vector_store %arg17[%swap3A_1012, %swap3A_1013], %broadcast_in_dim3A_1011 {strides = array<i32>} : memref<1024x128xf32, #tpu.memory_space<vmem>>, vector<1024x128xf32>,
    } else {
    }
    %get3A = arith.constant 0 : index
    %get3A_2 = arith.constant 0 : index
    %get3A_3 = vector.load %arg1[%get3A, %get3A_2] : memref<8192x128xf32, #tpu.memory_space<vmem>>, vector<1024x64xf32>
    %get3A_4 = arith.constant 0 : index
    %get3A_5 = arith.constant 0 : index
    %get3A_6 = vector.load %arg16[%get3A_4, %get3A_5] : memref<1024x128xf32, #tpu.memory_space<vmem>>, vector<1024x128xf32>
    %convert_element_type3A_7 = arith.truncf %get3A_6 : vector<1024x128xf32> to vector<1024x128xbf16>
    %convert_element_type3A_8 = arith.truncf %get3A_3 : vector<1024x64xf32> to vector<1024x64xbf16>
    %concatenate3A = tpu.concatenate %convert_element_type3A_7, %convert_element_type3A_8 in 1 : vector<1024x128xbf16>, vector<1024x64xbf16> -> vector<1024x192xbf16>
    %get3A_9 = arith.constant 0 : index
    %get3A_10 = arith.constant 0 : index
    %get3A_11 = vector.load %arg3[%get3A_9, %get3A_10] : memref<192x256xbf16, #tpu.memory_space<vmem>>, vector<192x256xbf16>
    %dot_general3A = arith.constant dense<0.000000e+00> : vector<1024x256xf32>
    %dot_general3A_12 = tpu.matmul %concatenate3A, %get3A_11, %dot_general3A {dimension_numbers = #tpu.dot_dimension_numbers<[1], [0], [0], [1], [0, 0, 1, 1], [], []>, transpose_lhs_hint = false} : vector<1024x192xbf16>, vector<192x256xbf16>, vector<1024x256xf32> -> vector<1024x256xf32>
    %get3A_13 = arith.constant 0 : index
    %get3A_14 = arith.constant 0 : index
    %get3A_15 = vector.load %arg6[%get3A_13, %get3A_14] : memref<1x256xf32, #tpu.memory_space<vmem>>, vector<1x256xf32>
    %add3A = vector.broadcast %get3A_15 : vector<1x256xf32> to vector<1024x256xf32>
    %add3A_16 = arith.addf %dot_general3A_12, %add3A : vector<1024x256xf32>
    %get3A_17 = arith.constant 0 : index
    %get3A_18 = arith.constant 0 : index
    %get3A_19 = vector.load %arg4[%get3A_17, %get3A_18] : memref<128x128xbf16, #tpu.memory_space<vmem>>, vector<128x128xbf16>
    %dot_general3A_20 = arith.constant dense<0.000000e+00> : vector<1024x128xf32>
    %dot_general3A_21 = tpu.matmul %convert_element_type3A_7, %get3A_19, %dot_general3A_20 {dimension_numbers = #tpu.dot_dimension_numbers<[1], [0], [0], [1], [0, 0, 1, 1], [], []>, transpose_lhs_hint = false} : vector<1024x128xbf16>, vector<128x128xbf16>, vector<1024x128xf32> -> vector<1024x128xf32>
    %get3A_22 = arith.constant 0 : index
    %get3A_23 = arith.constant 0 : index
    %get3A_24 = vector.load %arg7[%get3A_22, %get3A_23] : memref<1x128xf32, #tpu.memory_space<vmem>>, vector<1x128xf32>
    %add3A_25 = vector.broadcast %get3A_24 : vector<1x128xf32> to vector<1024x128xf32>
    %add3A_26 = arith.addf %dot_general3A_21, %add3A_25 : vector<1024x128xf32>
    %get3A_27 = arith.constant 0 : index
    %get3A_28 = arith.constant 0 : index
    %get3A_29 = vector.load %arg5[%get3A_27, %get3A_28] : memref<64x128xbf16, #tpu.memory_space<vmem>>, vector<64x128xbf16>
    %dot_general3A_30 = arith.constant dense<0.000000e+00> : vector<1024x128xf32>
    %dot_general3A_31 = tpu.matmul %convert_element_type3A_8, %get3A_29, %dot_general3A_30 {dimension_numbers = #tpu.dot_dimension_numbers<[1], [0], [0], [1], [0, 0, 1, 1], [], []>, transpose_lhs_hint = false} : vector<1024x64xbf16>, vector<64x128xbf16>, vector<1024x128xf32> -> vector<1024x128xf32>
    %get3A_32 = arith.constant 0 : index
    %get3A_33 = arith.constant 0 : index
    %get3A_34 = vector.load %arg8[%get3A_32, %get3A_33] : memref<1x128xf32, #tpu.memory_space<vmem>>, vector<1x128xf32>
    %add3A_35 = vector.broadcast %get3A_34 : vector<1x128xf32> to vector<1024x128xf32>
    %add3A_36 = arith.addf %dot_general3A_31, %add3A_35 : vector<1024x128xf32>
    %tanh3A = math.tanh %add3A_16 : vector<1024x256xf32>
    %slice3A = vector.extract_strided_slice %tanh3A {offsets = [0, 0], sizes = [1024, 128], strides = [1, 1]} : vector<1024x256xf32> to vector<1024x128xf32>
    %mul3A = arith.constant 5.000000e-01 : f32
    %mul3A_37 = vector.broadcast %mul3A : f32 to vector<1024x128xf32>
    %mul3A_38 = arith.mulf %mul3A_37, %slice3A : vector<1024x128xf32>
    %add3A_39 = arith.constant 5.000000e-01 : f32
    %add3A_40 = vector.broadcast %add3A_39 : f32 to vector<1024x128xf32>
    %add3A_41 = arith.addf %mul3A_38, %add3A_40 : vector<1024x128xf32>
    %slice3A_42 = vector.extract_strided_slice %tanh3A {offsets = [0, 128], sizes = [1024, 128], strides = [1, 1]} : vector<1024x256xf32> to vector<1024x128xf32>
    %mul3A_43 = arith.constant 5.000000e-01 : f32
    %mul3A_44 = vector.broadcast %mul3A_43 : f32 to vector<1024x128xf32>
    %mul3A_45 = arith.mulf %mul3A_44, %slice3A_42 : vector<1024x128xf32>
    %add3A_46 = arith.constant 5.000000e-01 : f32
    %add3A_47 = vector.broadcast %add3A_46 : f32 to vector<1024x128xf32>
    %add3A_48 = arith.addf %mul3A_45, %add3A_47 : vector<1024x128xf32>
    %mul3A_49 = arith.mulf %add3A_41, %add3A_26 : vector<1024x128xf32>
    %add3A_50 = arith.addf %add3A_36, %mul3A_49 : vector<1024x128xf32>
    %tanh3A_51 = math.tanh %add3A_50 : vector<1024x128xf32>
    %sub3A = arith.subf %get3A_6, %tanh3A_51 : vector<1024x128xf32>
    %mul3A_52 = arith.mulf %add3A_48, %sub3A : vector<1024x128xf32>
    %add3A_53 = arith.addf %tanh3A_51, %mul3A_52 : vector<1024x128xf32>
    %swap3A = arith.constant 0 : index
    %swap3A_54 = arith.constant 0 : index
    %swap3A_55 = vector.load %arg16[%swap3A, %swap3A_54] : memref<1024x128xf32, #tpu.memory_space<vmem>>, vector<1024x128xf32>
    tpu.vector_store %arg16[%swap3A, %swap3A_54], %add3A_53 {strides = array<i32>} : memref<1024x128xf32, #tpu.memory_space<vmem>>, vector<1024x128xf32>,
    %get3A_56 = arith.constant 7168 : index
    %get3A_57 = arith.constant 0 : index
    %get3A_58 = vector.load %arg2[%get3A_56, %get3A_57] : memref<8192x128xf32, #tpu.memory_space<vmem>>, vector<1024x64xf32>
    %get3A_59 = arith.constant 0 : index
    %get3A_60 = arith.constant 0 : index
    %get3A_61 = vector.load %arg17[%get3A_59, %get3A_60] : memref<1024x128xf32, #tpu.memory_space<vmem>>, vector<1024x128xf32>
    %convert_element_type3A_62 = arith.truncf %get3A_61 : vector<1024x128xf32> to vector<1024x128xbf16>
    %convert_element_type3A_63 = arith.truncf %get3A_58 : vector<1024x64xf32> to vector<1024x64xbf16>
    %concatenate3A_64 = tpu.concatenate %convert_element_type3A_62, %convert_element_type3A_63 in 1 : vector<1024x128xbf16>, vector<1024x64xbf16> -> vector<1024x192xbf16>
    %get3A_65 = arith.constant 0 : index
    %get3A_66 = arith.constant 0 : index
    %get3A_67 = vector.load %arg9[%get3A_65, %get3A_66] : memref<192x256xbf16, #tpu.memory_space<vmem>>, vector<192x256xbf16>
    %dot_general3A_68 = arith.constant dense<0.000000e+00> : vector<1024x256xf32>
    %dot_general3A_69 = tpu.matmul %concatenate3A_64, %get3A_67, %dot_general3A_68 {dimension_numbers = #tpu.dot_dimension_numbers<[1], [0], [0], [1], [0, 0, 1, 1], [], []>, transpose_lhs_hint = false} : vector<1024x192xbf16>, vector<192x256xbf16>, vector<1024x256xf32> -> vector<1024x256xf32>
    %get3A_70 = arith.constant 0 : index
    %get3A_71 = arith.constant 0 : index
    %get3A_72 = vector.load %arg12[%get3A_70, %get3A_71] : memref<1x256xf32, #tpu.memory_space<vmem>>, vector<1x256xf32>
    %add3A_73 = vector.broadcast %get3A_72 : vector<1x256xf32> to vector<1024x256xf32>
    %add3A_74 = arith.addf %dot_general3A_69, %add3A_73 : vector<1024x256xf32>
    %get3A_75 = arith.constant 0 : index
    %get3A_76 = arith.constant 0 : index
    %get3A_77 = vector.load %arg10[%get3A_75, %get3A_76] : memref<128x128xbf16, #tpu.memory_space<vmem>>, vector<128x128xbf16>
    %dot_general3A_78 = arith.constant dense<0.000000e+00> : vector<1024x128xf32>
    %dot_general3A_79 = tpu.matmul %convert_element_type3A_62, %get3A_77, %dot_general3A_78 {dimension_numbers = #tpu.dot_dimension_numbers<[1], [0], [0], [1], [0, 0, 1, 1], [], []>, transpose_lhs_hint = false} : vector<1024x128xbf16>, vector<128x128xbf16>, vector<1024x128xf32> -> vector<1024x128xf32>
    %get3A_80 = arith.constant 0 : index
    %get3A_81 = arith.constant 0 : index
    %get3A_82 = vector.load %arg13[%get3A_80, %get3A_81] : memref<1x128xf32, #tpu.memory_space<vmem>>, vector<1x128xf32>
    %add3A_83 = vector.broadcast %get3A_82 : vector<1x128xf32> to vector<1024x128xf32>
    %add3A_84 = arith.addf %dot_general3A_79, %add3A_83 : vector<1024x128xf32>
    %get3A_85 = arith.constant 0 : index
    %get3A_86 = arith.constant 0 : index
    %get3A_87 = vector.load %arg11[%get3A_85, %get3A_86] : memref<64x128xbf16, #tpu.memory_space<vmem>>, vector<64x128xbf16>
    %dot_general3A_88 = arith.constant dense<0.000000e+00> : vector<1024x128xf32>
    %dot_general3A_89 = tpu.matmul %convert_element_type3A_63, %get3A_87, %dot_general3A_88 {dimension_numbers = #tpu.dot_dimension_numbers<[1], [0], [0], [1], [0, 0, 1, 1], [], []>, transpose_lhs_hint = false} : vector<1024x64xbf16>, vector<64x128xbf16>, vector<1024x128xf32> -> vector<1024x128xf32>
    %get3A_90 = arith.constant 0 : index
    %get3A_91 = arith.constant 0 : index
    %get3A_92 = vector.load %arg14[%get3A_90, %get3A_91] : memref<1x128xf32, #tpu.memory_space<vmem>>, vector<1x128xf32>
    %add3A_93 = vector.broadcast %get3A_92 : vector<1x128xf32> to vector<1024x128xf32>
    %add3A_94 = arith.addf %dot_general3A_89, %add3A_93 : vector<1024x128xf32>
    %tanh3A_95 = math.tanh %add3A_74 : vector<1024x256xf32>
    %slice3A_96 = vector.extract_strided_slice %tanh3A_95 {offsets = [0, 0], sizes = [1024, 128], strides = [1, 1]} : vector<1024x256xf32> to vector<1024x128xf32>
    %mul3A_97 = arith.constant 5.000000e-01 : f32
    %mul3A_98 = vector.broadcast %mul3A_97 : f32 to vector<1024x128xf32>
    %mul3A_99 = arith.mulf %mul3A_98, %slice3A_96 : vector<1024x128xf32>
    %add3A_100 = arith.constant 5.000000e-01 : f32
    %add3A_101 = vector.broadcast %add3A_100 : f32 to vector<1024x128xf32>
    %add3A_102 = arith.addf %mul3A_99, %add3A_101 : vector<1024x128xf32>
    %slice3A_103 = vector.extract_strided_slice %tanh3A_95 {offsets = [0, 128], sizes = [1024, 128], strides = [1, 1]} : vector<1024x256xf32> to vector<1024x128xf32>
    %mul3A_104 = arith.constant 5.000000e-01 : f32
    %mul3A_105 = vector.broadcast %mul3A_104 : f32 to vector<1024x128xf32>
    %mul3A_106 = arith.mulf %mul3A_105, %slice3A_103 : vector<1024x128xf32>
    %add3A_107 = arith.constant 5.000000e-01 : f32
    %add3A_108 = vector.broadcast %add3A_107 : f32 to vector<1024x128xf32>
    %add3A_109 = arith.addf %mul3A_106, %add3A_108 : vector<1024x128xf32>
    %mul3A_110 = arith.mulf %add3A_102, %add3A_84 : vector<1024x128xf32>
    %add3A_111 = arith.addf %add3A_94, %mul3A_110 : vector<1024x128xf32>
    %tanh3A_112 = math.tanh %add3A_111 : vector<1024x128xf32>
    %sub3A_113 = arith.subf %get3A_61, %tanh3A_112 : vector<1024x128xf32>
    %mul3A_114 = arith.mulf %add3A_109, %sub3A_113 : vector<1024x128xf32>
    %add3A_115 = arith.addf %tanh3A_112, %mul3A_114 : vector<1024x128xf32>
    %swap3A_116 = arith.constant 0 : index
    %swap3A_117 = arith.constant 0 : index
    %swap3A_118 = vector.load %arg17[%swap3A_116, %swap3A_117] : memref<1024x128xf32, #tpu.memory_space<vmem>>, vector<1024x128xf32>
    tpu.vector_store %arg17[%swap3A_116, %swap3A_117], %add3A_115 {strides = array<i32>} : memref<1024x128xf32, #tpu.memory_space<vmem>>, vector<1024x128xf32>,
    %get3A_119 = arith.constant 1024 : index
    %get3A_120 = arith.constant 0 : index
    %get3A_121 = vector.load %arg1[%get3A_119, %get3A_120] : memref<8192x128xf32, #tpu.memory_space<vmem>>, vector<1024x64xf32>
    %get3A_122 = arith.constant 0 : index
    %get3A_123 = arith.constant 0 : index
    %get3A_124 = vector.load %arg16[%get3A_122, %get3A_123] : memref<1024x128xf32, #tpu.memory_space<vmem>>, vector<1024x128xf32>
    %convert_element_type3A_125 = arith.truncf %get3A_124 : vector<1024x128xf32> to vector<1024x128xbf16>
    %convert_element_type3A_126 = arith.truncf %get3A_121 : vector<1024x64xf32> to vector<1024x64xbf16>
    %concatenate3A_127 = tpu.concatenate %convert_element_type3A_125, %convert_element_type3A_126 in 1 : vector<1024x128xbf16>, vector<1024x64xbf16> -> vector<1024x192xbf16>
    %get3A_128 = arith.constant 0 : index
    %get3A_129 = arith.constant 0 : index
    %get3A_130 = vector.load %arg3[%get3A_128, %get3A_129] : memref<192x256xbf16, #tpu.memory_space<vmem>>, vector<192x256xbf16>
    %dot_general3A_131 = arith.constant dense<0.000000e+00> : vector<1024x256xf32>
    %dot_general3A_132 = tpu.matmul %concatenate3A_127, %get3A_130, %dot_general3A_131 {dimension_numbers = #tpu.dot_dimension_numbers<[1], [0], [0], [1], [0, 0, 1, 1], [], []>, transpose_lhs_hint = false} : vector<1024x192xbf16>, vector<192x256xbf16>, vector<1024x256xf32> -> vector<1024x256xf32>
    %get3A_133 = arith.constant 0 : index
    %get3A_134 = arith.constant 0 : index
    %get3A_135 = vector.load %arg6[%get3A_133, %get3A_134] : memref<1x256xf32, #tpu.memory_space<vmem>>, vector<1x256xf32>
    %add3A_136 = vector.broadcast %get3A_135 : vector<1x256xf32> to vector<1024x256xf32>
    %add3A_137 = arith.addf %dot_general3A_132, %add3A_136 : vector<1024x256xf32>
    %get3A_138 = arith.constant 0 : index
    %get3A_139 = arith.constant 0 : index
    %get3A_140 = vector.load %arg4[%get3A_138, %get3A_139] : memref<128x128xbf16, #tpu.memory_space<vmem>>, vector<128x128xbf16>
    %dot_general3A_141 = arith.constant dense<0.000000e+00> : vector<1024x128xf32>
    %dot_general3A_142 = tpu.matmul %convert_element_type3A_125, %get3A_140, %dot_general3A_141 {dimension_numbers = #tpu.dot_dimension_numbers<[1], [0], [0], [1], [0, 0, 1, 1], [], []>, transpose_lhs_hint = false} : vector<1024x128xbf16>, vector<128x128xbf16>, vector<1024x128xf32> -> vector<1024x128xf32>
    %get3A_143 = arith.constant 0 : index
    %get3A_144 = arith.constant 0 : index
    %get3A_145 = vector.load %arg7[%get3A_143, %get3A_144] : memref<1x128xf32, #tpu.memory_space<vmem>>, vector<1x128xf32>
    %add3A_146 = vector.broadcast %get3A_145 : vector<1x128xf32> to vector<1024x128xf32>
    %add3A_147 = arith.addf %dot_general3A_142, %add3A_146 : vector<1024x128xf32>
    %get3A_148 = arith.constant 0 : index
    %get3A_149 = arith.constant 0 : index
    %get3A_150 = vector.load %arg5[%get3A_148, %get3A_149] : memref<64x128xbf16, #tpu.memory_space<vmem>>, vector<64x128xbf16>
    %dot_general3A_151 = arith.constant dense<0.000000e+00> : vector<1024x128xf32>
    %dot_general3A_152 = tpu.matmul %convert_element_type3A_126, %get3A_150, %dot_general3A_151 {dimension_numbers = #tpu.dot_dimension_numbers<[1], [0], [0], [1], [0, 0, 1, 1], [], []>, transpose_lhs_hint = false} : vector<1024x64xbf16>, vector<64x128xbf16>, vector<1024x128xf32> -> vector<1024x128xf32>
    %get3A_153 = arith.constant 0 : index
    %get3A_154 = arith.constant 0 : index
    %get3A_155 = vector.load %arg8[%get3A_153, %get3A_154] : memref<1x128xf32, #tpu.memory_space<vmem>>, vector<1x128xf32>
    %add3A_156 = vector.broadcast %get3A_155 : vector<1x128xf32> to vector<1024x128xf32>
    %add3A_157 = arith.addf %dot_general3A_152, %add3A_156 : vector<1024x128xf32>
    %tanh3A_158 = math.tanh %add3A_137 : vector<1024x256xf32>
    %slice3A_159 = vector.extract_strided_slice %tanh3A_158 {offsets = [0, 0], sizes = [1024, 128], strides = [1, 1]} : vector<1024x256xf32> to vector<1024x128xf32>
    %mul3A_160 = arith.constant 5.000000e-01 : f32
    %mul3A_161 = vector.broadcast %mul3A_160 : f32 to vector<1024x128xf32>
    %mul3A_162 = arith.mulf %mul3A_161, %slice3A_159 : vector<1024x128xf32>
    %add3A_163 = arith.constant 5.000000e-01 : f32
    %add3A_164 = vector.broadcast %add3A_163 : f32 to vector<1024x128xf32>
    %add3A_165 = arith.addf %mul3A_162, %add3A_164 : vector<1024x128xf32>
    %slice3A_166 = vector.extract_strided_slice %tanh3A_158 {offsets = [0, 128], sizes = [1024, 128], strides = [1, 1]} : vector<1024x256xf32> to vector<1024x128xf32>
    %mul3A_167 = arith.constant 5.000000e-01 : f32
    %mul3A_168 = vector.broadcast %mul3A_167 : f32 to vector<1024x128xf32>
    %mul3A_169 = arith.mulf %mul3A_168, %slice3A_166 : vector<1024x128xf32>
    %add3A_170 = arith.constant 5.000000e-01 : f32
    %add3A_171 = vector.broadcast %add3A_170 : f32 to vector<1024x128xf32>
    %add3A_172 = arith.addf %mul3A_169, %add3A_171 : vector<1024x128xf32>
    %mul3A_173 = arith.mulf %add3A_165, %add3A_147 : vector<1024x128xf32>
    %add3A_174 = arith.addf %add3A_157, %mul3A_173 : vector<1024x128xf32>
    %tanh3A_175 = math.tanh %add3A_174 : vector<1024x128xf32>
    %sub3A_176 = arith.subf %get3A_124, %tanh3A_175 : vector<1024x128xf32>
    %mul3A_177 = arith.mulf %add3A_172, %sub3A_176 : vector<1024x128xf32>
    %add3A_178 = arith.addf %tanh3A_175, %mul3A_177 : vector<1024x128xf32>
    %swap3A_179 = arith.constant 0 : index
    %swap3A_180 = arith.constant 0 : index
    %swap3A_181 = vector.load %arg16[%swap3A_179, %swap3A_180] : memref<1024x128xf32, #tpu.memory_space<vmem>>, vector<1024x128xf32>
    tpu.vector_store %arg16[%swap3A_179, %swap3A_180], %add3A_178 {strides = array<i32>} : memref<1024x128xf32, #tpu.memory_space<vmem>>, vector<1024x128xf32>,
    %get3A_182 = arith.constant 6144 : index
    %get3A_183 = arith.constant 0 : index
    %get3A_184 = vector.load %arg2[%get3A_182, %get3A_183] : memref<8192x128xf32, #tpu.memory_space<vmem>>, vector<1024x64xf32>
    %get3A_185 = arith.constant 0 : index
    %get3A_186 = arith.constant 0 : index
    %get3A_187 = vector.load %arg17[%get3A_185, %get3A_186] : memref<1024x128xf32, #tpu.memory_space<vmem>>, vector<1024x128xf32>
    %convert_element_type3A_188 = arith.truncf %get3A_187 : vector<1024x128xf32> to vector<1024x128xbf16>
    %convert_element_type3A_189 = arith.truncf %get3A_184 : vector<1024x64xf32> to vector<1024x64xbf16>
    %concatenate3A_190 = tpu.concatenate %convert_element_type3A_188, %convert_element_type3A_189 in 1 : vector<1024x128xbf16>, vector<1024x64xbf16> -> vector<1024x192xbf16>
    %get3A_191 = arith.constant 0 : index
    %get3A_192 = arith.constant 0 : index
    %get3A_193 = vector.load %arg9[%get3A_191, %get3A_192] : memref<192x256xbf16, #tpu.memory_space<vmem>>, vector<192x256xbf16>
    %dot_general3A_194 = arith.constant dense<0.000000e+00> : vector<1024x256xf32>
    %dot_general3A_195 = tpu.matmul %concatenate3A_190, %get3A_193, %dot_general3A_194 {dimension_numbers = #tpu.dot_dimension_numbers<[1], [0], [0], [1], [0, 0, 1, 1], [], []>, transpose_lhs_hint = false} : vector<1024x192xbf16>, vector<192x256xbf16>, vector<1024x256xf32> -> vector<1024x256xf32>
    %get3A_196 = arith.constant 0 : index
    %get3A_197 = arith.constant 0 : index
    %get3A_198 = vector.load %arg12[%get3A_196, %get3A_197] : memref<1x256xf32, #tpu.memory_space<vmem>>, vector<1x256xf32>
    %add3A_199 = vector.broadcast %get3A_198 : vector<1x256xf32> to vector<1024x256xf32>
    %add3A_200 = arith.addf %dot_general3A_195, %add3A_199 : vector<1024x256xf32>
    %get3A_201 = arith.constant 0 : index
    %get3A_202 = arith.constant 0 : index
    %get3A_203 = vector.load %arg10[%get3A_201, %get3A_202] : memref<128x128xbf16, #tpu.memory_space<vmem>>, vector<128x128xbf16>
    %dot_general3A_204 = arith.constant dense<0.000000e+00> : vector<1024x128xf32>
    %dot_general3A_205 = tpu.matmul %convert_element_type3A_188, %get3A_203, %dot_general3A_204 {dimension_numbers = #tpu.dot_dimension_numbers<[1], [0], [0], [1], [0, 0, 1, 1], [], []>, transpose_lhs_hint = false} : vector<1024x128xbf16>, vector<128x128xbf16>, vector<1024x128xf32> -> vector<1024x128xf32>
    %get3A_206 = arith.constant 0 : index
    %get3A_207 = arith.constant 0 : index
    %get3A_208 = vector.load %arg13[%get3A_206, %get3A_207] : memref<1x128xf32, #tpu.memory_space<vmem>>, vector<1x128xf32>
    %add3A_209 = vector.broadcast %get3A_208 : vector<1x128xf32> to vector<1024x128xf32>
    %add3A_210 = arith.addf %dot_general3A_205, %add3A_209 : vector<1024x128xf32>
    %get3A_211 = arith.constant 0 : index
    %get3A_212 = arith.constant 0 : index
    %get3A_213 = vector.load %arg11[%get3A_211, %get3A_212] : memref<64x128xbf16, #tpu.memory_space<vmem>>, vector<64x128xbf16>
    %dot_general3A_214 = arith.constant dense<0.000000e+00> : vector<1024x128xf32>
    %dot_general3A_215 = tpu.matmul %convert_element_type3A_189, %get3A_213, %dot_general3A_214 {dimension_numbers = #tpu.dot_dimension_numbers<[1], [0], [0], [1], [0, 0, 1, 1], [], []>, transpose_lhs_hint = false} : vector<1024x64xbf16>, vector<64x128xbf16>, vector<1024x128xf32> -> vector<1024x128xf32>
    %get3A_216 = arith.constant 0 : index
    %get3A_217 = arith.constant 0 : index
    %get3A_218 = vector.load %arg14[%get3A_216, %get3A_217] : memref<1x128xf32, #tpu.memory_space<vmem>>, vector<1x128xf32>
    %add3A_219 = vector.broadcast %get3A_218 : vector<1x128xf32> to vector<1024x128xf32>
    %add3A_220 = arith.addf %dot_general3A_215, %add3A_219 : vector<1024x128xf32>
    %tanh3A_221 = math.tanh %add3A_200 : vector<1024x256xf32>
    %slice3A_222 = vector.extract_strided_slice %tanh3A_221 {offsets = [0, 0], sizes = [1024, 128], strides = [1, 1]} : vector<1024x256xf32> to vector<1024x128xf32>
    %mul3A_223 = arith.constant 5.000000e-01 : f32
    %mul3A_224 = vector.broadcast %mul3A_223 : f32 to vector<1024x128xf32>
    %mul3A_225 = arith.mulf %mul3A_224, %slice3A_222 : vector<1024x128xf32>
    %add3A_226 = arith.constant 5.000000e-01 : f32
    %add3A_227 = vector.broadcast %add3A_226 : f32 to vector<1024x128xf32>
    %add3A_228 = arith.addf %mul3A_225, %add3A_227 : vector<1024x128xf32>
    %slice3A_229 = vector.extract_strided_slice %tanh3A_221 {offsets = [0, 128], sizes = [1024, 128], strides = [1, 1]} : vector<1024x256xf32> to vector<1024x128xf32>
    %mul3A_230 = arith.constant 5.000000e-01 : f32
    %mul3A_231 = vector.broadcast %mul3A_230 : f32 to vector<1024x128xf32>
    %mul3A_232 = arith.mulf %mul3A_231, %slice3A_229 : vector<1024x128xf32>
    %add3A_233 = arith.constant 5.000000e-01 : f32
    %add3A_234 = vector.broadcast %add3A_233 : f32 to vector<1024x128xf32>
    %add3A_235 = arith.addf %mul3A_232, %add3A_234 : vector<1024x128xf32>
    %mul3A_236 = arith.mulf %add3A_228, %add3A_210 : vector<1024x128xf32>
    %add3A_237 = arith.addf %add3A_220, %mul3A_236 : vector<1024x128xf32>
    %tanh3A_238 = math.tanh %add3A_237 : vector<1024x128xf32>
    %sub3A_239 = arith.subf %get3A_187, %tanh3A_238 : vector<1024x128xf32>
    %mul3A_240 = arith.mulf %add3A_235, %sub3A_239 : vector<1024x128xf32>
    %add3A_241 = arith.addf %tanh3A_238, %mul3A_240 : vector<1024x128xf32>
    %swap3A_242 = arith.constant 0 : index
    %swap3A_243 = arith.constant 0 : index
    %swap3A_244 = vector.load %arg17[%swap3A_242, %swap3A_243] : memref<1024x128xf32, #tpu.memory_space<vmem>>, vector<1024x128xf32>
    tpu.vector_store %arg17[%swap3A_242, %swap3A_243], %add3A_241 {strides = array<i32>} : memref<1024x128xf32, #tpu.memory_space<vmem>>, vector<1024x128xf32>,
    %get3A_245 = arith.constant 2048 : index
    %get3A_246 = arith.constant 0 : index
    %get3A_247 = vector.load %arg1[%get3A_245, %get3A_246] : memref<8192x128xf32, #tpu.memory_space<vmem>>, vector<1024x64xf32>
    %get3A_248 = arith.constant 0 : index
    %get3A_249 = arith.constant 0 : index
    %get3A_250 = vector.load %arg16[%get3A_248, %get3A_249] : memref<1024x128xf32, #tpu.memory_space<vmem>>, vector<1024x128xf32>
    %convert_element_type3A_251 = arith.truncf %get3A_250 : vector<1024x128xf32> to vector<1024x128xbf16>
    %convert_element_type3A_252 = arith.truncf %get3A_247 : vector<1024x64xf32> to vector<1024x64xbf16>
    %concatenate3A_253 = tpu.concatenate %convert_element_type3A_251, %convert_element_type3A_252 in 1 : vector<1024x128xbf16>, vector<1024x64xbf16> -> vector<1024x192xbf16>
    %get3A_254 = arith.constant 0 : index
    %get3A_255 = arith.constant 0 : index
    %get3A_256 = vector.load %arg3[%get3A_254, %get3A_255] : memref<192x256xbf16, #tpu.memory_space<vmem>>, vector<192x256xbf16>
    %dot_general3A_257 = arith.constant dense<0.000000e+00> : vector<1024x256xf32>
    %dot_general3A_258 = tpu.matmul %concatenate3A_253, %get3A_256, %dot_general3A_257 {dimension_numbers = #tpu.dot_dimension_numbers<[1], [0], [0], [1], [0, 0, 1, 1], [], []>, transpose_lhs_hint = false} : vector<1024x192xbf16>, vector<192x256xbf16>, vector<1024x256xf32> -> vector<1024x256xf32>
    %get3A_259 = arith.constant 0 : index
    %get3A_260 = arith.constant 0 : index
    %get3A_261 = vector.load %arg6[%get3A_259, %get3A_260] : memref<1x256xf32, #tpu.memory_space<vmem>>, vector<1x256xf32>
    %add3A_262 = vector.broadcast %get3A_261 : vector<1x256xf32> to vector<1024x256xf32>
    %add3A_263 = arith.addf %dot_general3A_258, %add3A_262 : vector<1024x256xf32>
    %get3A_264 = arith.constant 0 : index
    %get3A_265 = arith.constant 0 : index
    %get3A_266 = vector.load %arg4[%get3A_264, %get3A_265] : memref<128x128xbf16, #tpu.memory_space<vmem>>, vector<128x128xbf16>
    %dot_general3A_267 = arith.constant dense<0.000000e+00> : vector<1024x128xf32>
    %dot_general3A_268 = tpu.matmul %convert_element_type3A_251, %get3A_266, %dot_general3A_267 {dimension_numbers = #tpu.dot_dimension_numbers<[1], [0], [0], [1], [0, 0, 1, 1], [], []>, transpose_lhs_hint = false} : vector<1024x128xbf16>, vector<128x128xbf16>, vector<1024x128xf32> -> vector<1024x128xf32>
    %get3A_269 = arith.constant 0 : index
    %get3A_270 = arith.constant 0 : index
    %get3A_271 = vector.load %arg7[%get3A_269, %get3A_270] : memref<1x128xf32, #tpu.memory_space<vmem>>, vector<1x128xf32>
    %add3A_272 = vector.broadcast %get3A_271 : vector<1x128xf32> to vector<1024x128xf32>
    %add3A_273 = arith.addf %dot_general3A_268, %add3A_272 : vector<1024x128xf32>
    %get3A_274 = arith.constant 0 : index
    %get3A_275 = arith.constant 0 : index
    %get3A_276 = vector.load %arg5[%get3A_274, %get3A_275] : memref<64x128xbf16, #tpu.memory_space<vmem>>, vector<64x128xbf16>
    %dot_general3A_277 = arith.constant dense<0.000000e+00> : vector<1024x128xf32>
    %dot_general3A_278 = tpu.matmul %convert_element_type3A_252, %get3A_276, %dot_general3A_277 {dimension_numbers = #tpu.dot_dimension_numbers<[1], [0], [0], [1], [0, 0, 1, 1], [], []>, transpose_lhs_hint = false} : vector<1024x64xbf16>, vector<64x128xbf16>, vector<1024x128xf32> -> vector<1024x128xf32>
    %get3A_279 = arith.constant 0 : index
    %get3A_280 = arith.constant 0 : index
    %get3A_281 = vector.load %arg8[%get3A_279, %get3A_280] : memref<1x128xf32, #tpu.memory_space<vmem>>, vector<1x128xf32>
    %add3A_282 = vector.broadcast %get3A_281 : vector<1x128xf32> to vector<1024x128xf32>
    %add3A_283 = arith.addf %dot_general3A_278, %add3A_282 : vector<1024x128xf32>
    %tanh3A_284 = math.tanh %add3A_263 : vector<1024x256xf32>
    %slice3A_285 = vector.extract_strided_slice %tanh3A_284 {offsets = [0, 0], sizes = [1024, 128], strides = [1, 1]} : vector<1024x256xf32> to vector<1024x128xf32>
    %mul3A_286 = arith.constant 5.000000e-01 : f32
    %mul3A_287 = vector.broadcast %mul3A_286 : f32 to vector<1024x128xf32>
    %mul3A_288 = arith.mulf %mul3A_287, %slice3A_285 : vector<1024x128xf32>
    %add3A_289 = arith.constant 5.000000e-01 : f32
    %add3A_290 = vector.broadcast %add3A_289 : f32 to vector<1024x128xf32>
    %add3A_291 = arith.addf %mul3A_288, %add3A_290 : vector<1024x128xf32>
    %slice3A_292 = vector.extract_strided_slice %tanh3A_284 {offsets = [0, 128], sizes = [1024, 128], strides = [1, 1]} : vector<1024x256xf32> to vector<1024x128xf32>
    %mul3A_293 = arith.constant 5.000000e-01 : f32
    %mul3A_294 = vector.broadcast %mul3A_293 : f32 to vector<1024x128xf32>
    %mul3A_295 = arith.mulf %mul3A_294, %slice3A_292 : vector<1024x128xf32>
    %add3A_296 = arith.constant 5.000000e-01 : f32
    %add3A_297 = vector.broadcast %add3A_296 : f32 to vector<1024x128xf32>
    %add3A_298 = arith.addf %mul3A_295, %add3A_297 : vector<1024x128xf32>
    %mul3A_299 = arith.mulf %add3A_291, %add3A_273 : vector<1024x128xf32>
    %add3A_300 = arith.addf %add3A_283, %mul3A_299 : vector<1024x128xf32>
    %tanh3A_301 = math.tanh %add3A_300 : vector<1024x128xf32>
    %sub3A_302 = arith.subf %get3A_250, %tanh3A_301 : vector<1024x128xf32>
    %mul3A_303 = arith.mulf %add3A_298, %sub3A_302 : vector<1024x128xf32>
    %add3A_304 = arith.addf %tanh3A_301, %mul3A_303 : vector<1024x128xf32>
    %swap3A_305 = arith.constant 0 : index
    %swap3A_306 = arith.constant 0 : index
    %swap3A_307 = vector.load %arg16[%swap3A_305, %swap3A_306] : memref<1024x128xf32, #tpu.memory_space<vmem>>, vector<1024x128xf32>
    tpu.vector_store %arg16[%swap3A_305, %swap3A_306], %add3A_304 {strides = array<i32>} : memref<1024x128xf32, #tpu.memory_space<vmem>>, vector<1024x128xf32>,
    %get3A_308 = arith.constant 5120 : index
    %get3A_309 = arith.constant 0 : index
    %get3A_310 = vector.load %arg2[%get3A_308, %get3A_309] : memref<8192x128xf32, #tpu.memory_space<vmem>>, vector<1024x64xf32>
    %get3A_311 = arith.constant 0 : index
    %get3A_312 = arith.constant 0 : index
    %get3A_313 = vector.load %arg17[%get3A_311, %get3A_312] : memref<1024x128xf32, #tpu.memory_space<vmem>>, vector<1024x128xf32>
    %convert_element_type3A_314 = arith.truncf %get3A_313 : vector<1024x128xf32> to vector<1024x128xbf16>
    %convert_element_type3A_315 = arith.truncf %get3A_310 : vector<1024x64xf32> to vector<1024x64xbf16>
    %concatenate3A_316 = tpu.concatenate %convert_element_type3A_314, %convert_element_type3A_315 in 1 : vector<1024x128xbf16>, vector<1024x64xbf16> -> vector<1024x192xbf16>
    %get3A_317 = arith.constant 0 : index
    %get3A_318 = arith.constant 0 : index
    %get3A_319 = vector.load %arg9[%get3A_317, %get3A_318] : memref<192x256xbf16, #tpu.memory_space<vmem>>, vector<192x256xbf16>
    %dot_general3A_320 = arith.constant dense<0.000000e+00> : vector<1024x256xf32>
    %dot_general3A_321 = tpu.matmul %concatenate3A_316, %get3A_319, %dot_general3A_320 {dimension_numbers = #tpu.dot_dimension_numbers<[1], [0], [0], [1], [0, 0, 1, 1], [], []>, transpose_lhs_hint = false} : vector<1024x192xbf16>, vector<192x256xbf16>, vector<1024x256xf32> -> vector<1024x256xf32>
    %get3A_322 = arith.constant 0 : index
    %get3A_323 = arith.constant 0 : index
    %get3A_324 = vector.load %arg12[%get3A_322, %get3A_323] : memref<1x256xf32, #tpu.memory_space<vmem>>, vector<1x256xf32>
    %add3A_325 = vector.broadcast %get3A_324 : vector<1x256xf32> to vector<1024x256xf32>
    %add3A_326 = arith.addf %dot_general3A_321, %add3A_325 : vector<1024x256xf32>
    %get3A_327 = arith.constant 0 : index
    %get3A_328 = arith.constant 0 : index
    %get3A_329 = vector.load %arg10[%get3A_327, %get3A_328] : memref<128x128xbf16, #tpu.memory_space<vmem>>, vector<128x128xbf16>
    %dot_general3A_330 = arith.constant dense<0.000000e+00> : vector<1024x128xf32>
    %dot_general3A_331 = tpu.matmul %convert_element_type3A_314, %get3A_329, %dot_general3A_330 {dimension_numbers = #tpu.dot_dimension_numbers<[1], [0], [0], [1], [0, 0, 1, 1], [], []>, transpose_lhs_hint = false} : vector<1024x128xbf16>, vector<128x128xbf16>, vector<1024x128xf32> -> vector<1024x128xf32>
    %get3A_332 = arith.constant 0 : index
    %get3A_333 = arith.constant 0 : index
    %get3A_334 = vector.load %arg13[%get3A_332, %get3A_333] : memref<1x128xf32, #tpu.memory_space<vmem>>, vector<1x128xf32>
    %add3A_335 = vector.broadcast %get3A_334 : vector<1x128xf32> to vector<1024x128xf32>
    %add3A_336 = arith.addf %dot_general3A_331, %add3A_335 : vector<1024x128xf32>
    %get3A_337 = arith.constant 0 : index
    %get3A_338 = arith.constant 0 : index
    %get3A_339 = vector.load %arg11[%get3A_337, %get3A_338] : memref<64x128xbf16, #tpu.memory_space<vmem>>, vector<64x128xbf16>
    %dot_general3A_340 = arith.constant dense<0.000000e+00> : vector<1024x128xf32>
    %dot_general3A_341 = tpu.matmul %convert_element_type3A_315, %get3A_339, %dot_general3A_340 {dimension_numbers = #tpu.dot_dimension_numbers<[1], [0], [0], [1], [0, 0, 1, 1], [], []>, transpose_lhs_hint = false} : vector<1024x64xbf16>, vector<64x128xbf16>, vector<1024x128xf32> -> vector<1024x128xf32>
    %get3A_342 = arith.constant 0 : index
    %get3A_343 = arith.constant 0 : index
    %get3A_344 = vector.load %arg14[%get3A_342, %get3A_343] : memref<1x128xf32, #tpu.memory_space<vmem>>, vector<1x128xf32>
    %add3A_345 = vector.broadcast %get3A_344 : vector<1x128xf32> to vector<1024x128xf32>
    %add3A_346 = arith.addf %dot_general3A_341, %add3A_345 : vector<1024x128xf32>
    %tanh3A_347 = math.tanh %add3A_326 : vector<1024x256xf32>
    %slice3A_348 = vector.extract_strided_slice %tanh3A_347 {offsets = [0, 0], sizes = [1024, 128], strides = [1, 1]} : vector<1024x256xf32> to vector<1024x128xf32>
    %mul3A_349 = arith.constant 5.000000e-01 : f32
    %mul3A_350 = vector.broadcast %mul3A_349 : f32 to vector<1024x128xf32>
    %mul3A_351 = arith.mulf %mul3A_350, %slice3A_348 : vector<1024x128xf32>
    %add3A_352 = arith.constant 5.000000e-01 : f32
    %add3A_353 = vector.broadcast %add3A_352 : f32 to vector<1024x128xf32>
    %add3A_354 = arith.addf %mul3A_351, %add3A_353 : vector<1024x128xf32>
    %slice3A_355 = vector.extract_strided_slice %tanh3A_347 {offsets = [0, 128], sizes = [1024, 128], strides = [1, 1]} : vector<1024x256xf32> to vector<1024x128xf32>
    %mul3A_356 = arith.constant 5.000000e-01 : f32
    %mul3A_357 = vector.broadcast %mul3A_356 : f32 to vector<1024x128xf32>
    %mul3A_358 = arith.mulf %mul3A_357, %slice3A_355 : vector<1024x128xf32>
    %add3A_359 = arith.constant 5.000000e-01 : f32
    %add3A_360 = vector.broadcast %add3A_359 : f32 to vector<1024x128xf32>
    %add3A_361 = arith.addf %mul3A_358, %add3A_360 : vector<1024x128xf32>
    %mul3A_362 = arith.mulf %add3A_354, %add3A_336 : vector<1024x128xf32>
    %add3A_363 = arith.addf %add3A_346, %mul3A_362 : vector<1024x128xf32>
    %tanh3A_364 = math.tanh %add3A_363 : vector<1024x128xf32>
    %sub3A_365 = arith.subf %get3A_313, %tanh3A_364 : vector<1024x128xf32>
    %mul3A_366 = arith.mulf %add3A_361, %sub3A_365 : vector<1024x128xf32>
    %add3A_367 = arith.addf %tanh3A_364, %mul3A_366 : vector<1024x128xf32>
    %swap3A_368 = arith.constant 0 : index
    %swap3A_369 = arith.constant 0 : index
    %swap3A_370 = vector.load %arg17[%swap3A_368, %swap3A_369] : memref<1024x128xf32, #tpu.memory_space<vmem>>, vector<1024x128xf32>
    tpu.vector_store %arg17[%swap3A_368, %swap3A_369], %add3A_367 {strides = array<i32>} : memref<1024x128xf32, #tpu.memory_space<vmem>>, vector<1024x128xf32>,
    %get3A_371 = arith.constant 3072 : index
    %get3A_372 = arith.constant 0 : index
    %get3A_373 = vector.load %arg1[%get3A_371, %get3A_372] : memref<8192x128xf32, #tpu.memory_space<vmem>>, vector<1024x64xf32>
    %get3A_374 = arith.constant 0 : index
    %get3A_375 = arith.constant 0 : index
    %get3A_376 = vector.load %arg16[%get3A_374, %get3A_375] : memref<1024x128xf32, #tpu.memory_space<vmem>>, vector<1024x128xf32>
    %convert_element_type3A_377 = arith.truncf %get3A_376 : vector<1024x128xf32> to vector<1024x128xbf16>
    %convert_element_type3A_378 = arith.truncf %get3A_373 : vector<1024x64xf32> to vector<1024x64xbf16>
    %concatenate3A_379 = tpu.concatenate %convert_element_type3A_377, %convert_element_type3A_378 in 1 : vector<1024x128xbf16>, vector<1024x64xbf16> -> vector<1024x192xbf16>
    %get3A_380 = arith.constant 0 : index
    %get3A_381 = arith.constant 0 : index
    %get3A_382 = vector.load %arg3[%get3A_380, %get3A_381] : memref<192x256xbf16, #tpu.memory_space<vmem>>, vector<192x256xbf16>
    %dot_general3A_383 = arith.constant dense<0.000000e+00> : vector<1024x256xf32>
    %dot_general3A_384 = tpu.matmul %concatenate3A_379, %get3A_382, %dot_general3A_383 {dimension_numbers = #tpu.dot_dimension_numbers<[1], [0], [0], [1], [0, 0, 1, 1], [], []>, transpose_lhs_hint = false} : vector<1024x192xbf16>, vector<192x256xbf16>, vector<1024x256xf32> -> vector<1024x256xf32>
    %get3A_385 = arith.constant 0 : index
    %get3A_386 = arith.constant 0 : index
    %get3A_387 = vector.load %arg6[%get3A_385, %get3A_386] : memref<1x256xf32, #tpu.memory_space<vmem>>, vector<1x256xf32>
    %add3A_388 = vector.broadcast %get3A_387 : vector<1x256xf32> to vector<1024x256xf32>
    %add3A_389 = arith.addf %dot_general3A_384, %add3A_388 : vector<1024x256xf32>
    %get3A_390 = arith.constant 0 : index
    %get3A_391 = arith.constant 0 : index
    %get3A_392 = vector.load %arg4[%get3A_390, %get3A_391] : memref<128x128xbf16, #tpu.memory_space<vmem>>, vector<128x128xbf16>
    %dot_general3A_393 = arith.constant dense<0.000000e+00> : vector<1024x128xf32>
    %dot_general3A_394 = tpu.matmul %convert_element_type3A_377, %get3A_392, %dot_general3A_393 {dimension_numbers = #tpu.dot_dimension_numbers<[1], [0], [0], [1], [0, 0, 1, 1], [], []>, transpose_lhs_hint = false} : vector<1024x128xbf16>, vector<128x128xbf16>, vector<1024x128xf32> -> vector<1024x128xf32>
    %get3A_395 = arith.constant 0 : index
    %get3A_396 = arith.constant 0 : index
    %get3A_397 = vector.load %arg7[%get3A_395, %get3A_396] : memref<1x128xf32, #tpu.memory_space<vmem>>, vector<1x128xf32>
    %add3A_398 = vector.broadcast %get3A_397 : vector<1x128xf32> to vector<1024x128xf32>
    %add3A_399 = arith.addf %dot_general3A_394, %add3A_398 : vector<1024x128xf32>
    %get3A_400 = arith.constant 0 : index
    %get3A_401 = arith.constant 0 : index
    %get3A_402 = vector.load %arg5[%get3A_400, %get3A_401] : memref<64x128xbf16, #tpu.memory_space<vmem>>, vector<64x128xbf16>
    %dot_general3A_403 = arith.constant dense<0.000000e+00> : vector<1024x128xf32>
    %dot_general3A_404 = tpu.matmul %convert_element_type3A_378, %get3A_402, %dot_general3A_403 {dimension_numbers = #tpu.dot_dimension_numbers<[1], [0], [0], [1], [0, 0, 1, 1], [], []>, transpose_lhs_hint = false} : vector<1024x64xbf16>, vector<64x128xbf16>, vector<1024x128xf32> -> vector<1024x128xf32>
    %get3A_405 = arith.constant 0 : index
    %get3A_406 = arith.constant 0 : index
    %get3A_407 = vector.load %arg8[%get3A_405, %get3A_406] : memref<1x128xf32, #tpu.memory_space<vmem>>, vector<1x128xf32>
    %add3A_408 = vector.broadcast %get3A_407 : vector<1x128xf32> to vector<1024x128xf32>
    %add3A_409 = arith.addf %dot_general3A_404, %add3A_408 : vector<1024x128xf32>
    %tanh3A_410 = math.tanh %add3A_389 : vector<1024x256xf32>
    %slice3A_411 = vector.extract_strided_slice %tanh3A_410 {offsets = [0, 0], sizes = [1024, 128], strides = [1, 1]} : vector<1024x256xf32> to vector<1024x128xf32>
    %mul3A_412 = arith.constant 5.000000e-01 : f32
    %mul3A_413 = vector.broadcast %mul3A_412 : f32 to vector<1024x128xf32>
    %mul3A_414 = arith.mulf %mul3A_413, %slice3A_411 : vector<1024x128xf32>
    %add3A_415 = arith.constant 5.000000e-01 : f32
    %add3A_416 = vector.broadcast %add3A_415 : f32 to vector<1024x128xf32>
    %add3A_417 = arith.addf %mul3A_414, %add3A_416 : vector<1024x128xf32>
    %slice3A_418 = vector.extract_strided_slice %tanh3A_410 {offsets = [0, 128], sizes = [1024, 128], strides = [1, 1]} : vector<1024x256xf32> to vector<1024x128xf32>
    %mul3A_419 = arith.constant 5.000000e-01 : f32
    %mul3A_420 = vector.broadcast %mul3A_419 : f32 to vector<1024x128xf32>
    %mul3A_421 = arith.mulf %mul3A_420, %slice3A_418 : vector<1024x128xf32>
    %add3A_422 = arith.constant 5.000000e-01 : f32
    %add3A_423 = vector.broadcast %add3A_422 : f32 to vector<1024x128xf32>
    %add3A_424 = arith.addf %mul3A_421, %add3A_423 : vector<1024x128xf32>
    %mul3A_425 = arith.mulf %add3A_417, %add3A_399 : vector<1024x128xf32>
    %add3A_426 = arith.addf %add3A_409, %mul3A_425 : vector<1024x128xf32>
    %tanh3A_427 = math.tanh %add3A_426 : vector<1024x128xf32>
    %sub3A_428 = arith.subf %get3A_376, %tanh3A_427 : vector<1024x128xf32>
    %mul3A_429 = arith.mulf %add3A_424, %sub3A_428 : vector<1024x128xf32>
    %add3A_430 = arith.addf %tanh3A_427, %mul3A_429 : vector<1024x128xf32>
    %swap3A_431 = arith.constant 0 : index
    %swap3A_432 = arith.constant 0 : index
    %swap3A_433 = vector.load %arg16[%swap3A_431, %swap3A_432] : memref<1024x128xf32, #tpu.memory_space<vmem>>, vector<1024x128xf32>
    tpu.vector_store %arg16[%swap3A_431, %swap3A_432], %add3A_430 {strides = array<i32>} : memref<1024x128xf32, #tpu.memory_space<vmem>>, vector<1024x128xf32>,
    %get3A_434 = arith.constant 4096 : index
    %get3A_435 = arith.constant 0 : index
    %get3A_436 = vector.load %arg2[%get3A_434, %get3A_435] : memref<8192x128xf32, #tpu.memory_space<vmem>>, vector<1024x64xf32>
    %get3A_437 = arith.constant 0 : index
    %get3A_438 = arith.constant 0 : index
    %get3A_439 = vector.load %arg17[%get3A_437, %get3A_438] : memref<1024x128xf32, #tpu.memory_space<vmem>>, vector<1024x128xf32>
    %convert_element_type3A_440 = arith.truncf %get3A_439 : vector<1024x128xf32> to vector<1024x128xbf16>
    %convert_element_type3A_441 = arith.truncf %get3A_436 : vector<1024x64xf32> to vector<1024x64xbf16>
    %concatenate3A_442 = tpu.concatenate %convert_element_type3A_440, %convert_element_type3A_441 in 1 : vector<1024x128xbf16>, vector<1024x64xbf16> -> vector<1024x192xbf16>
    %get3A_443 = arith.constant 0 : index
    %get3A_444 = arith.constant 0 : index
    %get3A_445 = vector.load %arg9[%get3A_443, %get3A_444] : memref<192x256xbf16, #tpu.memory_space<vmem>>, vector<192x256xbf16>
    %dot_general3A_446 = arith.constant dense<0.000000e+00> : vector<1024x256xf32>
    %dot_general3A_447 = tpu.matmul %concatenate3A_442, %get3A_445, %dot_general3A_446 {dimension_numbers = #tpu.dot_dimension_numbers<[1], [0], [0], [1], [0, 0, 1, 1], [], []>, transpose_lhs_hint = false} : vector<1024x192xbf16>, vector<192x256xbf16>, vector<1024x256xf32> -> vector<1024x256xf32>
    %get3A_448 = arith.constant 0 : index
    %get3A_449 = arith.constant 0 : index
    %get3A_450 = vector.load %arg12[%get3A_448, %get3A_449] : memref<1x256xf32, #tpu.memory_space<vmem>>, vector<1x256xf32>
    %add3A_451 = vector.broadcast %get3A_450 : vector<1x256xf32> to vector<1024x256xf32>
    %add3A_452 = arith.addf %dot_general3A_447, %add3A_451 : vector<1024x256xf32>
    %get3A_453 = arith.constant 0 : index
    %get3A_454 = arith.constant 0 : index
    %get3A_455 = vector.load %arg10[%get3A_453, %get3A_454] : memref<128x128xbf16, #tpu.memory_space<vmem>>, vector<128x128xbf16>
    %dot_general3A_456 = arith.constant dense<0.000000e+00> : vector<1024x128xf32>
    %dot_general3A_457 = tpu.matmul %convert_element_type3A_440, %get3A_455, %dot_general3A_456 {dimension_numbers = #tpu.dot_dimension_numbers<[1], [0], [0], [1], [0, 0, 1, 1], [], []>, transpose_lhs_hint = false} : vector<1024x128xbf16>, vector<128x128xbf16>, vector<1024x128xf32> -> vector<1024x128xf32>
    %get3A_458 = arith.constant 0 : index
    %get3A_459 = arith.constant 0 : index
    %get3A_460 = vector.load %arg13[%get3A_458, %get3A_459] : memref<1x128xf32, #tpu.memory_space<vmem>>, vector<1x128xf32>
    %add3A_461 = vector.broadcast %get3A_460 : vector<1x128xf32> to vector<1024x128xf32>
    %add3A_462 = arith.addf %dot_general3A_457, %add3A_461 : vector<1024x128xf32>
    %get3A_463 = arith.constant 0 : index
    %get3A_464 = arith.constant 0 : index
    %get3A_465 = vector.load %arg11[%get3A_463, %get3A_464] : memref<64x128xbf16, #tpu.memory_space<vmem>>, vector<64x128xbf16>
    %dot_general3A_466 = arith.constant dense<0.000000e+00> : vector<1024x128xf32>
    %dot_general3A_467 = tpu.matmul %convert_element_type3A_441, %get3A_465, %dot_general3A_466 {dimension_numbers = #tpu.dot_dimension_numbers<[1], [0], [0], [1], [0, 0, 1, 1], [], []>, transpose_lhs_hint = false} : vector<1024x64xbf16>, vector<64x128xbf16>, vector<1024x128xf32> -> vector<1024x128xf32>
    %get3A_468 = arith.constant 0 : index
    %get3A_469 = arith.constant 0 : index
    %get3A_470 = vector.load %arg14[%get3A_468, %get3A_469] : memref<1x128xf32, #tpu.memory_space<vmem>>, vector<1x128xf32>
    %add3A_471 = vector.broadcast %get3A_470 : vector<1x128xf32> to vector<1024x128xf32>
    %add3A_472 = arith.addf %dot_general3A_467, %add3A_471 : vector<1024x128xf32>
    %tanh3A_473 = math.tanh %add3A_452 : vector<1024x256xf32>
    %slice3A_474 = vector.extract_strided_slice %tanh3A_473 {offsets = [0, 0], sizes = [1024, 128], strides = [1, 1]} : vector<1024x256xf32> to vector<1024x128xf32>
    %mul3A_475 = arith.constant 5.000000e-01 : f32
    %mul3A_476 = vector.broadcast %mul3A_475 : f32 to vector<1024x128xf32>
    %mul3A_477 = arith.mulf %mul3A_476, %slice3A_474 : vector<1024x128xf32>
    %add3A_478 = arith.constant 5.000000e-01 : f32
    %add3A_479 = vector.broadcast %add3A_478 : f32 to vector<1024x128xf32>
    %add3A_480 = arith.addf %mul3A_477, %add3A_479 : vector<1024x128xf32>
    %slice3A_481 = vector.extract_strided_slice %tanh3A_473 {offsets = [0, 128], sizes = [1024, 128], strides = [1, 1]} : vector<1024x256xf32> to vector<1024x128xf32>
    %mul3A_482 = arith.constant 5.000000e-01 : f32
    %mul3A_483 = vector.broadcast %mul3A_482 : f32 to vector<1024x128xf32>
    %mul3A_484 = arith.mulf %mul3A_483, %slice3A_481 : vector<1024x128xf32>
    %add3A_485 = arith.constant 5.000000e-01 : f32
    %add3A_486 = vector.broadcast %add3A_485 : f32 to vector<1024x128xf32>
    %add3A_487 = arith.addf %mul3A_484, %add3A_486 : vector<1024x128xf32>
    %mul3A_488 = arith.mulf %add3A_480, %add3A_462 : vector<1024x128xf32>
    %add3A_489 = arith.addf %add3A_472, %mul3A_488 : vector<1024x128xf32>
    %tanh3A_490 = math.tanh %add3A_489 : vector<1024x128xf32>
    %sub3A_491 = arith.subf %get3A_439, %tanh3A_490 : vector<1024x128xf32>
    %mul3A_492 = arith.mulf %add3A_487, %sub3A_491 : vector<1024x128xf32>
    %add3A_493 = arith.addf %tanh3A_490, %mul3A_492 : vector<1024x128xf32>
    %swap3A_494 = arith.constant 0 : index
    %swap3A_495 = arith.constant 0 : index
    %swap3A_496 = vector.load %arg17[%swap3A_494, %swap3A_495] : memref<1024x128xf32, #tpu.memory_space<vmem>>, vector<1024x128xf32>
    tpu.vector_store %arg17[%swap3A_494, %swap3A_495], %add3A_493 {strides = array<i32>} : memref<1024x128xf32, #tpu.memory_space<vmem>>, vector<1024x128xf32>,
    %get3A_497 = arith.constant 4096 : index
    %get3A_498 = arith.constant 0 : index
    %get3A_499 = vector.load %arg1[%get3A_497, %get3A_498] : memref<8192x128xf32, #tpu.memory_space<vmem>>, vector<1024x64xf32>
    %get3A_500 = arith.constant 0 : index
    %get3A_501 = arith.constant 0 : index
    %get3A_502 = vector.load %arg16[%get3A_500, %get3A_501] : memref<1024x128xf32, #tpu.memory_space<vmem>>, vector<1024x128xf32>
    %convert_element_type3A_503 = arith.truncf %get3A_502 : vector<1024x128xf32> to vector<1024x128xbf16>
    %convert_element_type3A_504 = arith.truncf %get3A_499 : vector<1024x64xf32> to vector<1024x64xbf16>
    %concatenate3A_505 = tpu.concatenate %convert_element_type3A_503, %convert_element_type3A_504 in 1 : vector<1024x128xbf16>, vector<1024x64xbf16> -> vector<1024x192xbf16>
    %get3A_506 = arith.constant 0 : index
    %get3A_507 = arith.constant 0 : index
    %get3A_508 = vector.load %arg3[%get3A_506, %get3A_507] : memref<192x256xbf16, #tpu.memory_space<vmem>>, vector<192x256xbf16>
    %dot_general3A_509 = arith.constant dense<0.000000e+00> : vector<1024x256xf32>
    %dot_general3A_510 = tpu.matmul %concatenate3A_505, %get3A_508, %dot_general3A_509 {dimension_numbers = #tpu.dot_dimension_numbers<[1], [0], [0], [1], [0, 0, 1, 1], [], []>, transpose_lhs_hint = false} : vector<1024x192xbf16>, vector<192x256xbf16>, vector<1024x256xf32> -> vector<1024x256xf32>
    %get3A_511 = arith.constant 0 : index
    %get3A_512 = arith.constant 0 : index
    %get3A_513 = vector.load %arg6[%get3A_511, %get3A_512] : memref<1x256xf32, #tpu.memory_space<vmem>>, vector<1x256xf32>
    %add3A_514 = vector.broadcast %get3A_513 : vector<1x256xf32> to vector<1024x256xf32>
    %add3A_515 = arith.addf %dot_general3A_510, %add3A_514 : vector<1024x256xf32>
    %get3A_516 = arith.constant 0 : index
    %get3A_517 = arith.constant 0 : index
    %get3A_518 = vector.load %arg4[%get3A_516, %get3A_517] : memref<128x128xbf16, #tpu.memory_space<vmem>>, vector<128x128xbf16>
    %dot_general3A_519 = arith.constant dense<0.000000e+00> : vector<1024x128xf32>
    %dot_general3A_520 = tpu.matmul %convert_element_type3A_503, %get3A_518, %dot_general3A_519 {dimension_numbers = #tpu.dot_dimension_numbers<[1], [0], [0], [1], [0, 0, 1, 1], [], []>, transpose_lhs_hint = false} : vector<1024x128xbf16>, vector<128x128xbf16>, vector<1024x128xf32> -> vector<1024x128xf32>
    %get3A_521 = arith.constant 0 : index
    %get3A_522 = arith.constant 0 : index
    %get3A_523 = vector.load %arg7[%get3A_521, %get3A_522] : memref<1x128xf32, #tpu.memory_space<vmem>>, vector<1x128xf32>
    %add3A_524 = vector.broadcast %get3A_523 : vector<1x128xf32> to vector<1024x128xf32>
    %add3A_525 = arith.addf %dot_general3A_520, %add3A_524 : vector<1024x128xf32>
    %get3A_526 = arith.constant 0 : index
    %get3A_527 = arith.constant 0 : index
    %get3A_528 = vector.load %arg5[%get3A_526, %get3A_527] : memref<64x128xbf16, #tpu.memory_space<vmem>>, vector<64x128xbf16>
    %dot_general3A_529 = arith.constant dense<0.000000e+00> : vector<1024x128xf32>
    %dot_general3A_530 = tpu.matmul %convert_element_type3A_504, %get3A_528, %dot_general3A_529 {dimension_numbers = #tpu.dot_dimension_numbers<[1], [0], [0], [1], [0, 0, 1, 1], [], []>, transpose_lhs_hint = false} : vector<1024x64xbf16>, vector<64x128xbf16>, vector<1024x128xf32> -> vector<1024x128xf32>
    %get3A_531 = arith.constant 0 : index
    %get3A_532 = arith.constant 0 : index
    %get3A_533 = vector.load %arg8[%get3A_531, %get3A_532] : memref<1x128xf32, #tpu.memory_space<vmem>>, vector<1x128xf32>
    %add3A_534 = vector.broadcast %get3A_533 : vector<1x128xf32> to vector<1024x128xf32>
    %add3A_535 = arith.addf %dot_general3A_530, %add3A_534 : vector<1024x128xf32>
    %tanh3A_536 = math.tanh %add3A_515 : vector<1024x256xf32>
    %slice3A_537 = vector.extract_strided_slice %tanh3A_536 {offsets = [0, 0], sizes = [1024, 128], strides = [1, 1]} : vector<1024x256xf32> to vector<1024x128xf32>
    %mul3A_538 = arith.constant 5.000000e-01 : f32
    %mul3A_539 = vector.broadcast %mul3A_538 : f32 to vector<1024x128xf32>
    %mul3A_540 = arith.mulf %mul3A_539, %slice3A_537 : vector<1024x128xf32>
    %add3A_541 = arith.constant 5.000000e-01 : f32
    %add3A_542 = vector.broadcast %add3A_541 : f32 to vector<1024x128xf32>
    %add3A_543 = arith.addf %mul3A_540, %add3A_542 : vector<1024x128xf32>
    %slice3A_544 = vector.extract_strided_slice %tanh3A_536 {offsets = [0, 128], sizes = [1024, 128], strides = [1, 1]} : vector<1024x256xf32> to vector<1024x128xf32>
    %mul3A_545 = arith.constant 5.000000e-01 : f32
    %mul3A_546 = vector.broadcast %mul3A_545 : f32 to vector<1024x128xf32>
    %mul3A_547 = arith.mulf %mul3A_546, %slice3A_544 : vector<1024x128xf32>
    %add3A_548 = arith.constant 5.000000e-01 : f32
    %add3A_549 = vector.broadcast %add3A_548 : f32 to vector<1024x128xf32>
    %add3A_550 = arith.addf %mul3A_547, %add3A_549 : vector<1024x128xf32>
    %mul3A_551 = arith.mulf %add3A_543, %add3A_525 : vector<1024x128xf32>
    %add3A_552 = arith.addf %add3A_535, %mul3A_551 : vector<1024x128xf32>
    %tanh3A_553 = math.tanh %add3A_552 : vector<1024x128xf32>
    %sub3A_554 = arith.subf %get3A_502, %tanh3A_553 : vector<1024x128xf32>
    %mul3A_555 = arith.mulf %add3A_550, %sub3A_554 : vector<1024x128xf32>
    %add3A_556 = arith.addf %tanh3A_553, %mul3A_555 : vector<1024x128xf32>
    %swap3A_557 = arith.constant 0 : index
    %swap3A_558 = arith.constant 0 : index
    %swap3A_559 = vector.load %arg16[%swap3A_557, %swap3A_558] : memref<1024x128xf32, #tpu.memory_space<vmem>>, vector<1024x128xf32>
    tpu.vector_store %arg16[%swap3A_557, %swap3A_558], %add3A_556 {strides = array<i32>} : memref<1024x128xf32, #tpu.memory_space<vmem>>, vector<1024x128xf32>,
    %get3A_560 = arith.constant 3072 : index
    %get3A_561 = arith.constant 0 : index
    %get3A_562 = vector.load %arg2[%get3A_560, %get3A_561] : memref<8192x128xf32, #tpu.memory_space<vmem>>, vector<1024x64xf32>
    %get3A_563 = arith.constant 0 : index
    %get3A_564 = arith.constant 0 : index
    %get3A_565 = vector.load %arg17[%get3A_563, %get3A_564] : memref<1024x128xf32, #tpu.memory_space<vmem>>, vector<1024x128xf32>
    %convert_element_type3A_566 = arith.truncf %get3A_565 : vector<1024x128xf32> to vector<1024x128xbf16>
    %convert_element_type3A_567 = arith.truncf %get3A_562 : vector<1024x64xf32> to vector<1024x64xbf16>
    %concatenate3A_568 = tpu.concatenate %convert_element_type3A_566, %convert_element_type3A_567 in 1 : vector<1024x128xbf16>, vector<1024x64xbf16> -> vector<1024x192xbf16>
    %get3A_569 = arith.constant 0 : index
    %get3A_570 = arith.constant 0 : index
    %get3A_571 = vector.load %arg9[%get3A_569, %get3A_570] : memref<192x256xbf16, #tpu.memory_space<vmem>>, vector<192x256xbf16>
    %dot_general3A_572 = arith.constant dense<0.000000e+00> : vector<1024x256xf32>
    %dot_general3A_573 = tpu.matmul %concatenate3A_568, %get3A_571, %dot_general3A_572 {dimension_numbers = #tpu.dot_dimension_numbers<[1], [0], [0], [1], [0, 0, 1, 1], [], []>, transpose_lhs_hint = false} : vector<1024x192xbf16>, vector<192x256xbf16>, vector<1024x256xf32> -> vector<1024x256xf32>
    %get3A_574 = arith.constant 0 : index
    %get3A_575 = arith.constant 0 : index
    %get3A_576 = vector.load %arg12[%get3A_574, %get3A_575] : memref<1x256xf32, #tpu.memory_space<vmem>>, vector<1x256xf32>
    %add3A_577 = vector.broadcast %get3A_576 : vector<1x256xf32> to vector<1024x256xf32>
    %add3A_578 = arith.addf %dot_general3A_573, %add3A_577 : vector<1024x256xf32>
    %get3A_579 = arith.constant 0 : index
    %get3A_580 = arith.constant 0 : index
    %get3A_581 = vector.load %arg10[%get3A_579, %get3A_580] : memref<128x128xbf16, #tpu.memory_space<vmem>>, vector<128x128xbf16>
    %dot_general3A_582 = arith.constant dense<0.000000e+00> : vector<1024x128xf32>
    %dot_general3A_583 = tpu.matmul %convert_element_type3A_566, %get3A_581, %dot_general3A_582 {dimension_numbers = #tpu.dot_dimension_numbers<[1], [0], [0], [1], [0, 0, 1, 1], [], []>, transpose_lhs_hint = false} : vector<1024x128xbf16>, vector<128x128xbf16>, vector<1024x128xf32> -> vector<1024x128xf32>
    %get3A_584 = arith.constant 0 : index
    %get3A_585 = arith.constant 0 : index
    %get3A_586 = vector.load %arg13[%get3A_584, %get3A_585] : memref<1x128xf32, #tpu.memory_space<vmem>>, vector<1x128xf32>
    %add3A_587 = vector.broadcast %get3A_586 : vector<1x128xf32> to vector<1024x128xf32>
    %add3A_588 = arith.addf %dot_general3A_583, %add3A_587 : vector<1024x128xf32>
    %get3A_589 = arith.constant 0 : index
    %get3A_590 = arith.constant 0 : index
    %get3A_591 = vector.load %arg11[%get3A_589, %get3A_590] : memref<64x128xbf16, #tpu.memory_space<vmem>>, vector<64x128xbf16>
    %dot_general3A_592 = arith.constant dense<0.000000e+00> : vector<1024x128xf32>
    %dot_general3A_593 = tpu.matmul %convert_element_type3A_567, %get3A_591, %dot_general3A_592 {dimension_numbers = #tpu.dot_dimension_numbers<[1], [0], [0], [1], [0, 0, 1, 1], [], []>, transpose_lhs_hint = false} : vector<1024x64xbf16>, vector<64x128xbf16>, vector<1024x128xf32> -> vector<1024x128xf32>
    %get3A_594 = arith.constant 0 : index
    %get3A_595 = arith.constant 0 : index
    %get3A_596 = vector.load %arg14[%get3A_594, %get3A_595] : memref<1x128xf32, #tpu.memory_space<vmem>>, vector<1x128xf32>
    %add3A_597 = vector.broadcast %get3A_596 : vector<1x128xf32> to vector<1024x128xf32>
    %add3A_598 = arith.addf %dot_general3A_593, %add3A_597 : vector<1024x128xf32>
    %tanh3A_599 = math.tanh %add3A_578 : vector<1024x256xf32>
    %slice3A_600 = vector.extract_strided_slice %tanh3A_599 {offsets = [0, 0], sizes = [1024, 128], strides = [1, 1]} : vector<1024x256xf32> to vector<1024x128xf32>
    %mul3A_601 = arith.constant 5.000000e-01 : f32
    %mul3A_602 = vector.broadcast %mul3A_601 : f32 to vector<1024x128xf32>
    %mul3A_603 = arith.mulf %mul3A_602, %slice3A_600 : vector<1024x128xf32>
    %add3A_604 = arith.constant 5.000000e-01 : f32
    %add3A_605 = vector.broadcast %add3A_604 : f32 to vector<1024x128xf32>
    %add3A_606 = arith.addf %mul3A_603, %add3A_605 : vector<1024x128xf32>
    %slice3A_607 = vector.extract_strided_slice %tanh3A_599 {offsets = [0, 128], sizes = [1024, 128], strides = [1, 1]} : vector<1024x256xf32> to vector<1024x128xf32>
    %mul3A_608 = arith.constant 5.000000e-01 : f32
    %mul3A_609 = vector.broadcast %mul3A_608 : f32 to vector<1024x128xf32>
    %mul3A_610 = arith.mulf %mul3A_609, %slice3A_607 : vector<1024x128xf32>
    %add3A_611 = arith.constant 5.000000e-01 : f32
    %add3A_612 = vector.broadcast %add3A_611 : f32 to vector<1024x128xf32>
    %add3A_613 = arith.addf %mul3A_610, %add3A_612 : vector<1024x128xf32>
    %mul3A_614 = arith.mulf %add3A_606, %add3A_588 : vector<1024x128xf32>
    %add3A_615 = arith.addf %add3A_598, %mul3A_614 : vector<1024x128xf32>
    %tanh3A_616 = math.tanh %add3A_615 : vector<1024x128xf32>
    %sub3A_617 = arith.subf %get3A_565, %tanh3A_616 : vector<1024x128xf32>
    %mul3A_618 = arith.mulf %add3A_613, %sub3A_617 : vector<1024x128xf32>
    %add3A_619 = arith.addf %tanh3A_616, %mul3A_618 : vector<1024x128xf32>
    %swap3A_620 = arith.constant 0 : index
    %swap3A_621 = arith.constant 0 : index
    %swap3A_622 = vector.load %arg17[%swap3A_620, %swap3A_621] : memref<1024x128xf32, #tpu.memory_space<vmem>>, vector<1024x128xf32>
    tpu.vector_store %arg17[%swap3A_620, %swap3A_621], %add3A_619 {strides = array<i32>} : memref<1024x128xf32, #tpu.memory_space<vmem>>, vector<1024x128xf32>,
    %get3A_623 = arith.constant 5120 : index
    %get3A_624 = arith.constant 0 : index
    %get3A_625 = vector.load %arg1[%get3A_623, %get3A_624] : memref<8192x128xf32, #tpu.memory_space<vmem>>, vector<1024x64xf32>
    %get3A_626 = arith.constant 0 : index
    %get3A_627 = arith.constant 0 : index
    %get3A_628 = vector.load %arg16[%get3A_626, %get3A_627] : memref<1024x128xf32, #tpu.memory_space<vmem>>, vector<1024x128xf32>
    %convert_element_type3A_629 = arith.truncf %get3A_628 : vector<1024x128xf32> to vector<1024x128xbf16>
    %convert_element_type3A_630 = arith.truncf %get3A_625 : vector<1024x64xf32> to vector<1024x64xbf16>
    %concatenate3A_631 = tpu.concatenate %convert_element_type3A_629, %convert_element_type3A_630 in 1 : vector<1024x128xbf16>, vector<1024x64xbf16> -> vector<1024x192xbf16>
    %get3A_632 = arith.constant 0 : index
    %get3A_633 = arith.constant 0 : index
    %get3A_634 = vector.load %arg3[%get3A_632, %get3A_633] : memref<192x256xbf16, #tpu.memory_space<vmem>>, vector<192x256xbf16>
    %dot_general3A_635 = arith.constant dense<0.000000e+00> : vector<1024x256xf32>
    %dot_general3A_636 = tpu.matmul %concatenate3A_631, %get3A_634, %dot_general3A_635 {dimension_numbers = #tpu.dot_dimension_numbers<[1], [0], [0], [1], [0, 0, 1, 1], [], []>, transpose_lhs_hint = false} : vector<1024x192xbf16>, vector<192x256xbf16>, vector<1024x256xf32> -> vector<1024x256xf32>
    %get3A_637 = arith.constant 0 : index
    %get3A_638 = arith.constant 0 : index
    %get3A_639 = vector.load %arg6[%get3A_637, %get3A_638] : memref<1x256xf32, #tpu.memory_space<vmem>>, vector<1x256xf32>
    %add3A_640 = vector.broadcast %get3A_639 : vector<1x256xf32> to vector<1024x256xf32>
    %add3A_641 = arith.addf %dot_general3A_636, %add3A_640 : vector<1024x256xf32>
    %get3A_642 = arith.constant 0 : index
    %get3A_643 = arith.constant 0 : index
    %get3A_644 = vector.load %arg4[%get3A_642, %get3A_643] : memref<128x128xbf16, #tpu.memory_space<vmem>>, vector<128x128xbf16>
    %dot_general3A_645 = arith.constant dense<0.000000e+00> : vector<1024x128xf32>
    %dot_general3A_646 = tpu.matmul %convert_element_type3A_629, %get3A_644, %dot_general3A_645 {dimension_numbers = #tpu.dot_dimension_numbers<[1], [0], [0], [1], [0, 0, 1, 1], [], []>, transpose_lhs_hint = false} : vector<1024x128xbf16>, vector<128x128xbf16>, vector<1024x128xf32> -> vector<1024x128xf32>
    %get3A_647 = arith.constant 0 : index
    %get3A_648 = arith.constant 0 : index
    %get3A_649 = vector.load %arg7[%get3A_647, %get3A_648] : memref<1x128xf32, #tpu.memory_space<vmem>>, vector<1x128xf32>
    %add3A_650 = vector.broadcast %get3A_649 : vector<1x128xf32> to vector<1024x128xf32>
    %add3A_651 = arith.addf %dot_general3A_646, %add3A_650 : vector<1024x128xf32>
    %get3A_652 = arith.constant 0 : index
    %get3A_653 = arith.constant 0 : index
    %get3A_654 = vector.load %arg5[%get3A_652, %get3A_653] : memref<64x128xbf16, #tpu.memory_space<vmem>>, vector<64x128xbf16>
    %dot_general3A_655 = arith.constant dense<0.000000e+00> : vector<1024x128xf32>
    %dot_general3A_656 = tpu.matmul %convert_element_type3A_630, %get3A_654, %dot_general3A_655 {dimension_numbers = #tpu.dot_dimension_numbers<[1], [0], [0], [1], [0, 0, 1, 1], [], []>, transpose_lhs_hint = false} : vector<1024x64xbf16>, vector<64x128xbf16>, vector<1024x128xf32> -> vector<1024x128xf32>
    %get3A_657 = arith.constant 0 : index
    %get3A_658 = arith.constant 0 : index
    %get3A_659 = vector.load %arg8[%get3A_657, %get3A_658] : memref<1x128xf32, #tpu.memory_space<vmem>>, vector<1x128xf32>
    %add3A_660 = vector.broadcast %get3A_659 : vector<1x128xf32> to vector<1024x128xf32>
    %add3A_661 = arith.addf %dot_general3A_656, %add3A_660 : vector<1024x128xf32>
    %tanh3A_662 = math.tanh %add3A_641 : vector<1024x256xf32>
    %slice3A_663 = vector.extract_strided_slice %tanh3A_662 {offsets = [0, 0], sizes = [1024, 128], strides = [1, 1]} : vector<1024x256xf32> to vector<1024x128xf32>
    %mul3A_664 = arith.constant 5.000000e-01 : f32
    %mul3A_665 = vector.broadcast %mul3A_664 : f32 to vector<1024x128xf32>
    %mul3A_666 = arith.mulf %mul3A_665, %slice3A_663 : vector<1024x128xf32>
    %add3A_667 = arith.constant 5.000000e-01 : f32
    %add3A_668 = vector.broadcast %add3A_667 : f32 to vector<1024x128xf32>
    %add3A_669 = arith.addf %mul3A_666, %add3A_668 : vector<1024x128xf32>
    %slice3A_670 = vector.extract_strided_slice %tanh3A_662 {offsets = [0, 128], sizes = [1024, 128], strides = [1, 1]} : vector<1024x256xf32> to vector<1024x128xf32>
    %mul3A_671 = arith.constant 5.000000e-01 : f32
    %mul3A_672 = vector.broadcast %mul3A_671 : f32 to vector<1024x128xf32>
    %mul3A_673 = arith.mulf %mul3A_672, %slice3A_670 : vector<1024x128xf32>
    %add3A_674 = arith.constant 5.000000e-01 : f32
    %add3A_675 = vector.broadcast %add3A_674 : f32 to vector<1024x128xf32>
    %add3A_676 = arith.addf %mul3A_673, %add3A_675 : vector<1024x128xf32>
    %mul3A_677 = arith.mulf %add3A_669, %add3A_651 : vector<1024x128xf32>
    %add3A_678 = arith.addf %add3A_661, %mul3A_677 : vector<1024x128xf32>
    %tanh3A_679 = math.tanh %add3A_678 : vector<1024x128xf32>
    %sub3A_680 = arith.subf %get3A_628, %tanh3A_679 : vector<1024x128xf32>
    %mul3A_681 = arith.mulf %add3A_676, %sub3A_680 : vector<1024x128xf32>
    %add3A_682 = arith.addf %tanh3A_679, %mul3A_681 : vector<1024x128xf32>
    %swap3A_683 = arith.constant 0 : index
    %swap3A_684 = arith.constant 0 : index
    %swap3A_685 = vector.load %arg16[%swap3A_683, %swap3A_684] : memref<1024x128xf32, #tpu.memory_space<vmem>>, vector<1024x128xf32>
    tpu.vector_store %arg16[%swap3A_683, %swap3A_684], %add3A_682 {strides = array<i32>} : memref<1024x128xf32, #tpu.memory_space<vmem>>, vector<1024x128xf32>,
    %get3A_686 = arith.constant 2048 : index
    %get3A_687 = arith.constant 0 : index
    %get3A_688 = vector.load %arg2[%get3A_686, %get3A_687] : memref<8192x128xf32, #tpu.memory_space<vmem>>, vector<1024x64xf32>
    %get3A_689 = arith.constant 0 : index
    %get3A_690 = arith.constant 0 : index
    %get3A_691 = vector.load %arg17[%get3A_689, %get3A_690] : memref<1024x128xf32, #tpu.memory_space<vmem>>, vector<1024x128xf32>
    %convert_element_type3A_692 = arith.truncf %get3A_691 : vector<1024x128xf32> to vector<1024x128xbf16>
    %convert_element_type3A_693 = arith.truncf %get3A_688 : vector<1024x64xf32> to vector<1024x64xbf16>
    %concatenate3A_694 = tpu.concatenate %convert_element_type3A_692, %convert_element_type3A_693 in 1 : vector<1024x128xbf16>, vector<1024x64xbf16> -> vector<1024x192xbf16>
    %get3A_695 = arith.constant 0 : index
    %get3A_696 = arith.constant 0 : index
    %get3A_697 = vector.load %arg9[%get3A_695, %get3A_696] : memref<192x256xbf16, #tpu.memory_space<vmem>>, vector<192x256xbf16>
    %dot_general3A_698 = arith.constant dense<0.000000e+00> : vector<1024x256xf32>
    %dot_general3A_699 = tpu.matmul %concatenate3A_694, %get3A_697, %dot_general3A_698 {dimension_numbers = #tpu.dot_dimension_numbers<[1], [0], [0], [1], [0, 0, 1, 1], [], []>, transpose_lhs_hint = false} : vector<1024x192xbf16>, vector<192x256xbf16>, vector<1024x256xf32> -> vector<1024x256xf32>
    %get3A_700 = arith.constant 0 : index
    %get3A_701 = arith.constant 0 : index
    %get3A_702 = vector.load %arg12[%get3A_700, %get3A_701] : memref<1x256xf32, #tpu.memory_space<vmem>>, vector<1x256xf32>
    %add3A_703 = vector.broadcast %get3A_702 : vector<1x256xf32> to vector<1024x256xf32>
    %add3A_704 = arith.addf %dot_general3A_699, %add3A_703 : vector<1024x256xf32>
    %get3A_705 = arith.constant 0 : index
    %get3A_706 = arith.constant 0 : index
    %get3A_707 = vector.load %arg10[%get3A_705, %get3A_706] : memref<128x128xbf16, #tpu.memory_space<vmem>>, vector<128x128xbf16>
    %dot_general3A_708 = arith.constant dense<0.000000e+00> : vector<1024x128xf32>
    %dot_general3A_709 = tpu.matmul %convert_element_type3A_692, %get3A_707, %dot_general3A_708 {dimension_numbers = #tpu.dot_dimension_numbers<[1], [0], [0], [1], [0, 0, 1, 1], [], []>, transpose_lhs_hint = false} : vector<1024x128xbf16>, vector<128x128xbf16>, vector<1024x128xf32> -> vector<1024x128xf32>
    %get3A_710 = arith.constant 0 : index
    %get3A_711 = arith.constant 0 : index
    %get3A_712 = vector.load %arg13[%get3A_710, %get3A_711] : memref<1x128xf32, #tpu.memory_space<vmem>>, vector<1x128xf32>
    %add3A_713 = vector.broadcast %get3A_712 : vector<1x128xf32> to vector<1024x128xf32>
    %add3A_714 = arith.addf %dot_general3A_709, %add3A_713 : vector<1024x128xf32>
    %get3A_715 = arith.constant 0 : index
    %get3A_716 = arith.constant 0 : index
    %get3A_717 = vector.load %arg11[%get3A_715, %get3A_716] : memref<64x128xbf16, #tpu.memory_space<vmem>>, vector<64x128xbf16>
    %dot_general3A_718 = arith.constant dense<0.000000e+00> : vector<1024x128xf32>
    %dot_general3A_719 = tpu.matmul %convert_element_type3A_693, %get3A_717, %dot_general3A_718 {dimension_numbers = #tpu.dot_dimension_numbers<[1], [0], [0], [1], [0, 0, 1, 1], [], []>, transpose_lhs_hint = false} : vector<1024x64xbf16>, vector<64x128xbf16>, vector<1024x128xf32> -> vector<1024x128xf32>
    %get3A_720 = arith.constant 0 : index
    %get3A_721 = arith.constant 0 : index
    %get3A_722 = vector.load %arg14[%get3A_720, %get3A_721] : memref<1x128xf32, #tpu.memory_space<vmem>>, vector<1x128xf32>
    %add3A_723 = vector.broadcast %get3A_722 : vector<1x128xf32> to vector<1024x128xf32>
    %add3A_724 = arith.addf %dot_general3A_719, %add3A_723 : vector<1024x128xf32>
    %tanh3A_725 = math.tanh %add3A_704 : vector<1024x256xf32>
    %slice3A_726 = vector.extract_strided_slice %tanh3A_725 {offsets = [0, 0], sizes = [1024, 128], strides = [1, 1]} : vector<1024x256xf32> to vector<1024x128xf32>
    %mul3A_727 = arith.constant 5.000000e-01 : f32
    %mul3A_728 = vector.broadcast %mul3A_727 : f32 to vector<1024x128xf32>
    %mul3A_729 = arith.mulf %mul3A_728, %slice3A_726 : vector<1024x128xf32>
    %add3A_730 = arith.constant 5.000000e-01 : f32
    %add3A_731 = vector.broadcast %add3A_730 : f32 to vector<1024x128xf32>
    %add3A_732 = arith.addf %mul3A_729, %add3A_731 : vector<1024x128xf32>
    %slice3A_733 = vector.extract_strided_slice %tanh3A_725 {offsets = [0, 128], sizes = [1024, 128], strides = [1, 1]} : vector<1024x256xf32> to vector<1024x128xf32>
    %mul3A_734 = arith.constant 5.000000e-01 : f32
    %mul3A_735 = vector.broadcast %mul3A_734 : f32 to vector<1024x128xf32>
    %mul3A_736 = arith.mulf %mul3A_735, %slice3A_733 : vector<1024x128xf32>
    %add3A_737 = arith.constant 5.000000e-01 : f32
    %add3A_738 = vector.broadcast %add3A_737 : f32 to vector<1024x128xf32>
    %add3A_739 = arith.addf %mul3A_736, %add3A_738 : vector<1024x128xf32>
    %mul3A_740 = arith.mulf %add3A_732, %add3A_714 : vector<1024x128xf32>
    %add3A_741 = arith.addf %add3A_724, %mul3A_740 : vector<1024x128xf32>
    %tanh3A_742 = math.tanh %add3A_741 : vector<1024x128xf32>
    %sub3A_743 = arith.subf %get3A_691, %tanh3A_742 : vector<1024x128xf32>
    %mul3A_744 = arith.mulf %add3A_739, %sub3A_743 : vector<1024x128xf32>
    %add3A_745 = arith.addf %tanh3A_742, %mul3A_744 : vector<1024x128xf32>
    %swap3A_746 = arith.constant 0 : index
    %swap3A_747 = arith.constant 0 : index
    %swap3A_748 = vector.load %arg17[%swap3A_746, %swap3A_747] : memref<1024x128xf32, #tpu.memory_space<vmem>>, vector<1024x128xf32>
    tpu.vector_store %arg17[%swap3A_746, %swap3A_747], %add3A_745 {strides = array<i32>} : memref<1024x128xf32, #tpu.memory_space<vmem>>, vector<1024x128xf32>,
    %get3A_749 = arith.constant 6144 : index
    %get3A_750 = arith.constant 0 : index
    %get3A_751 = vector.load %arg1[%get3A_749, %get3A_750] : memref<8192x128xf32, #tpu.memory_space<vmem>>, vector<1024x64xf32>
    %get3A_752 = arith.constant 0 : index
    %get3A_753 = arith.constant 0 : index
    %get3A_754 = vector.load %arg16[%get3A_752, %get3A_753] : memref<1024x128xf32, #tpu.memory_space<vmem>>, vector<1024x128xf32>
    %convert_element_type3A_755 = arith.truncf %get3A_754 : vector<1024x128xf32> to vector<1024x128xbf16>
    %convert_element_type3A_756 = arith.truncf %get3A_751 : vector<1024x64xf32> to vector<1024x64xbf16>
    %concatenate3A_757 = tpu.concatenate %convert_element_type3A_755, %convert_element_type3A_756 in 1 : vector<1024x128xbf16>, vector<1024x64xbf16> -> vector<1024x192xbf16>
    %get3A_758 = arith.constant 0 : index
    %get3A_759 = arith.constant 0 : index
    %get3A_760 = vector.load %arg3[%get3A_758, %get3A_759] : memref<192x256xbf16, #tpu.memory_space<vmem>>, vector<192x256xbf16>
    %dot_general3A_761 = arith.constant dense<0.000000e+00> : vector<1024x256xf32>
    %dot_general3A_762 = tpu.matmul %concatenate3A_757, %get3A_760, %dot_general3A_761 {dimension_numbers = #tpu.dot_dimension_numbers<[1], [0], [0], [1], [0, 0, 1, 1], [], []>, transpose_lhs_hint = false} : vector<1024x192xbf16>, vector<192x256xbf16>, vector<1024x256xf32> -> vector<1024x256xf32>
    %get3A_763 = arith.constant 0 : index
    %get3A_764 = arith.constant 0 : index
    %get3A_765 = vector.load %arg6[%get3A_763, %get3A_764] : memref<1x256xf32, #tpu.memory_space<vmem>>, vector<1x256xf32>
    %add3A_766 = vector.broadcast %get3A_765 : vector<1x256xf32> to vector<1024x256xf32>
    %add3A_767 = arith.addf %dot_general3A_762, %add3A_766 : vector<1024x256xf32>
    %get3A_768 = arith.constant 0 : index
    %get3A_769 = arith.constant 0 : index
    %get3A_770 = vector.load %arg4[%get3A_768, %get3A_769] : memref<128x128xbf16, #tpu.memory_space<vmem>>, vector<128x128xbf16>
    %dot_general3A_771 = arith.constant dense<0.000000e+00> : vector<1024x128xf32>
    %dot_general3A_772 = tpu.matmul %convert_element_type3A_755, %get3A_770, %dot_general3A_771 {dimension_numbers = #tpu.dot_dimension_numbers<[1], [0], [0], [1], [0, 0, 1, 1], [], []>, transpose_lhs_hint = false} : vector<1024x128xbf16>, vector<128x128xbf16>, vector<1024x128xf32> -> vector<1024x128xf32>
    %get3A_773 = arith.constant 0 : index
    %get3A_774 = arith.constant 0 : index
    %get3A_775 = vector.load %arg7[%get3A_773, %get3A_774] : memref<1x128xf32, #tpu.memory_space<vmem>>, vector<1x128xf32>
    %add3A_776 = vector.broadcast %get3A_775 : vector<1x128xf32> to vector<1024x128xf32>
    %add3A_777 = arith.addf %dot_general3A_772, %add3A_776 : vector<1024x128xf32>
    %get3A_778 = arith.constant 0 : index
    %get3A_779 = arith.constant 0 : index
    %get3A_780 = vector.load %arg5[%get3A_778, %get3A_779] : memref<64x128xbf16, #tpu.memory_space<vmem>>, vector<64x128xbf16>
    %dot_general3A_781 = arith.constant dense<0.000000e+00> : vector<1024x128xf32>
    %dot_general3A_782 = tpu.matmul %convert_element_type3A_756, %get3A_780, %dot_general3A_781 {dimension_numbers = #tpu.dot_dimension_numbers<[1], [0], [0], [1], [0, 0, 1, 1], [], []>, transpose_lhs_hint = false} : vector<1024x64xbf16>, vector<64x128xbf16>, vector<1024x128xf32> -> vector<1024x128xf32>
    %get3A_783 = arith.constant 0 : index
    %get3A_784 = arith.constant 0 : index
    %get3A_785 = vector.load %arg8[%get3A_783, %get3A_784] : memref<1x128xf32, #tpu.memory_space<vmem>>, vector<1x128xf32>
    %add3A_786 = vector.broadcast %get3A_785 : vector<1x128xf32> to vector<1024x128xf32>
    %add3A_787 = arith.addf %dot_general3A_782, %add3A_786 : vector<1024x128xf32>
    %tanh3A_788 = math.tanh %add3A_767 : vector<1024x256xf32>
    %slice3A_789 = vector.extract_strided_slice %tanh3A_788 {offsets = [0, 0], sizes = [1024, 128], strides = [1, 1]} : vector<1024x256xf32> to vector<1024x128xf32>
    %mul3A_790 = arith.constant 5.000000e-01 : f32
    %mul3A_791 = vector.broadcast %mul3A_790 : f32 to vector<1024x128xf32>
    %mul3A_792 = arith.mulf %mul3A_791, %slice3A_789 : vector<1024x128xf32>
    %add3A_793 = arith.constant 5.000000e-01 : f32
    %add3A_794 = vector.broadcast %add3A_793 : f32 to vector<1024x128xf32>
    %add3A_795 = arith.addf %mul3A_792, %add3A_794 : vector<1024x128xf32>
    %slice3A_796 = vector.extract_strided_slice %tanh3A_788 {offsets = [0, 128], sizes = [1024, 128], strides = [1, 1]} : vector<1024x256xf32> to vector<1024x128xf32>
    %mul3A_797 = arith.constant 5.000000e-01 : f32
    %mul3A_798 = vector.broadcast %mul3A_797 : f32 to vector<1024x128xf32>
    %mul3A_799 = arith.mulf %mul3A_798, %slice3A_796 : vector<1024x128xf32>
    %add3A_800 = arith.constant 5.000000e-01 : f32
    %add3A_801 = vector.broadcast %add3A_800 : f32 to vector<1024x128xf32>
    %add3A_802 = arith.addf %mul3A_799, %add3A_801 : vector<1024x128xf32>
    %mul3A_803 = arith.mulf %add3A_795, %add3A_777 : vector<1024x128xf32>
    %add3A_804 = arith.addf %add3A_787, %mul3A_803 : vector<1024x128xf32>
    %tanh3A_805 = math.tanh %add3A_804 : vector<1024x128xf32>
    %sub3A_806 = arith.subf %get3A_754, %tanh3A_805 : vector<1024x128xf32>
    %mul3A_807 = arith.mulf %add3A_802, %sub3A_806 : vector<1024x128xf32>
    %add3A_808 = arith.addf %tanh3A_805, %mul3A_807 : vector<1024x128xf32>
    %swap3A_809 = arith.constant 0 : index
    %swap3A_810 = arith.constant 0 : index
    %swap3A_811 = vector.load %arg16[%swap3A_809, %swap3A_810] : memref<1024x128xf32, #tpu.memory_space<vmem>>, vector<1024x128xf32>
    tpu.vector_store %arg16[%swap3A_809, %swap3A_810], %add3A_808 {strides = array<i32>} : memref<1024x128xf32, #tpu.memory_space<vmem>>, vector<1024x128xf32>,
    %get3A_812 = arith.constant 1024 : index
    %get3A_813 = arith.constant 0 : index
    %get3A_814 = vector.load %arg2[%get3A_812, %get3A_813] : memref<8192x128xf32, #tpu.memory_space<vmem>>, vector<1024x64xf32>
    %get3A_815 = arith.constant 0 : index
    %get3A_816 = arith.constant 0 : index
    %get3A_817 = vector.load %arg17[%get3A_815, %get3A_816] : memref<1024x128xf32, #tpu.memory_space<vmem>>, vector<1024x128xf32>
    %convert_element_type3A_818 = arith.truncf %get3A_817 : vector<1024x128xf32> to vector<1024x128xbf16>
    %convert_element_type3A_819 = arith.truncf %get3A_814 : vector<1024x64xf32> to vector<1024x64xbf16>
    %concatenate3A_820 = tpu.concatenate %convert_element_type3A_818, %convert_element_type3A_819 in 1 : vector<1024x128xbf16>, vector<1024x64xbf16> -> vector<1024x192xbf16>
    %get3A_821 = arith.constant 0 : index
    %get3A_822 = arith.constant 0 : index
    %get3A_823 = vector.load %arg9[%get3A_821, %get3A_822] : memref<192x256xbf16, #tpu.memory_space<vmem>>, vector<192x256xbf16>
    %dot_general3A_824 = arith.constant dense<0.000000e+00> : vector<1024x256xf32>
    %dot_general3A_825 = tpu.matmul %concatenate3A_820, %get3A_823, %dot_general3A_824 {dimension_numbers = #tpu.dot_dimension_numbers<[1], [0], [0], [1], [0, 0, 1, 1], [], []>, transpose_lhs_hint = false} : vector<1024x192xbf16>, vector<192x256xbf16>, vector<1024x256xf32> -> vector<1024x256xf32>
    %get3A_826 = arith.constant 0 : index
    %get3A_827 = arith.constant 0 : index
    %get3A_828 = vector.load %arg12[%get3A_826, %get3A_827] : memref<1x256xf32, #tpu.memory_space<vmem>>, vector<1x256xf32>
    %add3A_829 = vector.broadcast %get3A_828 : vector<1x256xf32> to vector<1024x256xf32>
    %add3A_830 = arith.addf %dot_general3A_825, %add3A_829 : vector<1024x256xf32>
    %get3A_831 = arith.constant 0 : index
    %get3A_832 = arith.constant 0 : index
    %get3A_833 = vector.load %arg10[%get3A_831, %get3A_832] : memref<128x128xbf16, #tpu.memory_space<vmem>>, vector<128x128xbf16>
    %dot_general3A_834 = arith.constant dense<0.000000e+00> : vector<1024x128xf32>
    %dot_general3A_835 = tpu.matmul %convert_element_type3A_818, %get3A_833, %dot_general3A_834 {dimension_numbers = #tpu.dot_dimension_numbers<[1], [0], [0], [1], [0, 0, 1, 1], [], []>, transpose_lhs_hint = false} : vector<1024x128xbf16>, vector<128x128xbf16>, vector<1024x128xf32> -> vector<1024x128xf32>
    %get3A_836 = arith.constant 0 : index
    %get3A_837 = arith.constant 0 : index
    %get3A_838 = vector.load %arg13[%get3A_836, %get3A_837] : memref<1x128xf32, #tpu.memory_space<vmem>>, vector<1x128xf32>
    %add3A_839 = vector.broadcast %get3A_838 : vector<1x128xf32> to vector<1024x128xf32>
    %add3A_840 = arith.addf %dot_general3A_835, %add3A_839 : vector<1024x128xf32>
    %get3A_841 = arith.constant 0 : index
    %get3A_842 = arith.constant 0 : index
    %get3A_843 = vector.load %arg11[%get3A_841, %get3A_842] : memref<64x128xbf16, #tpu.memory_space<vmem>>, vector<64x128xbf16>
    %dot_general3A_844 = arith.constant dense<0.000000e+00> : vector<1024x128xf32>
    %dot_general3A_845 = tpu.matmul %convert_element_type3A_819, %get3A_843, %dot_general3A_844 {dimension_numbers = #tpu.dot_dimension_numbers<[1], [0], [0], [1], [0, 0, 1, 1], [], []>, transpose_lhs_hint = false} : vector<1024x64xbf16>, vector<64x128xbf16>, vector<1024x128xf32> -> vector<1024x128xf32>
    %get3A_846 = arith.constant 0 : index
    %get3A_847 = arith.constant 0 : index
    %get3A_848 = vector.load %arg14[%get3A_846, %get3A_847] : memref<1x128xf32, #tpu.memory_space<vmem>>, vector<1x128xf32>
    %add3A_849 = vector.broadcast %get3A_848 : vector<1x128xf32> to vector<1024x128xf32>
    %add3A_850 = arith.addf %dot_general3A_845, %add3A_849 : vector<1024x128xf32>
    %tanh3A_851 = math.tanh %add3A_830 : vector<1024x256xf32>
    %slice3A_852 = vector.extract_strided_slice %tanh3A_851 {offsets = [0, 0], sizes = [1024, 128], strides = [1, 1]} : vector<1024x256xf32> to vector<1024x128xf32>
    %mul3A_853 = arith.constant 5.000000e-01 : f32
    %mul3A_854 = vector.broadcast %mul3A_853 : f32 to vector<1024x128xf32>
    %mul3A_855 = arith.mulf %mul3A_854, %slice3A_852 : vector<1024x128xf32>
    %add3A_856 = arith.constant 5.000000e-01 : f32
    %add3A_857 = vector.broadcast %add3A_856 : f32 to vector<1024x128xf32>
    %add3A_858 = arith.addf %mul3A_855, %add3A_857 : vector<1024x128xf32>
    %slice3A_859 = vector.extract_strided_slice %tanh3A_851 {offsets = [0, 128], sizes = [1024, 128], strides = [1, 1]} : vector<1024x256xf32> to vector<1024x128xf32>
    %mul3A_860 = arith.constant 5.000000e-01 : f32
    %mul3A_861 = vector.broadcast %mul3A_860 : f32 to vector<1024x128xf32>
    %mul3A_862 = arith.mulf %mul3A_861, %slice3A_859 : vector<1024x128xf32>
    %add3A_863 = arith.constant 5.000000e-01 : f32
    %add3A_864 = vector.broadcast %add3A_863 : f32 to vector<1024x128xf32>
    %add3A_865 = arith.addf %mul3A_862, %add3A_864 : vector<1024x128xf32>
    %mul3A_866 = arith.mulf %add3A_858, %add3A_840 : vector<1024x128xf32>
    %add3A_867 = arith.addf %add3A_850, %mul3A_866 : vector<1024x128xf32>
    %tanh3A_868 = math.tanh %add3A_867 : vector<1024x128xf32>
    %sub3A_869 = arith.subf %get3A_817, %tanh3A_868 : vector<1024x128xf32>
    %mul3A_870 = arith.mulf %add3A_865, %sub3A_869 : vector<1024x128xf32>
    %add3A_871 = arith.addf %tanh3A_868, %mul3A_870 : vector<1024x128xf32>
    %swap3A_872 = arith.constant 0 : index
    %swap3A_873 = arith.constant 0 : index
    %swap3A_874 = vector.load %arg17[%swap3A_872, %swap3A_873] : memref<1024x128xf32, #tpu.memory_space<vmem>>, vector<1024x128xf32>
    tpu.vector_store %arg17[%swap3A_872, %swap3A_873], %add3A_871 {strides = array<i32>} : memref<1024x128xf32, #tpu.memory_space<vmem>>, vector<1024x128xf32>,
    %get3A_875 = arith.constant 7168 : index
    %get3A_876 = arith.constant 0 : index
    %get3A_877 = vector.load %arg1[%get3A_875, %get3A_876] : memref<8192x128xf32, #tpu.memory_space<vmem>>, vector<1024x64xf32>
    %get3A_878 = arith.constant 0 : index
    %get3A_879 = arith.constant 0 : index
    %get3A_880 = vector.load %arg16[%get3A_878, %get3A_879] : memref<1024x128xf32, #tpu.memory_space<vmem>>, vector<1024x128xf32>
    %convert_element_type3A_881 = arith.truncf %get3A_880 : vector<1024x128xf32> to vector<1024x128xbf16>
    %convert_element_type3A_882 = arith.truncf %get3A_877 : vector<1024x64xf32> to vector<1024x64xbf16>
    %concatenate3A_883 = tpu.concatenate %convert_element_type3A_881, %convert_element_type3A_882 in 1 : vector<1024x128xbf16>, vector<1024x64xbf16> -> vector<1024x192xbf16>
    %get3A_884 = arith.constant 0 : index
    %get3A_885 = arith.constant 0 : index
    %get3A_886 = vector.load %arg3[%get3A_884, %get3A_885] : memref<192x256xbf16, #tpu.memory_space<vmem>>, vector<192x256xbf16>
    %dot_general3A_887 = arith.constant dense<0.000000e+00> : vector<1024x256xf32>
    %dot_general3A_888 = tpu.matmul %concatenate3A_883, %get3A_886, %dot_general3A_887 {dimension_numbers = #tpu.dot_dimension_numbers<[1], [0], [0], [1], [0, 0, 1, 1], [], []>, transpose_lhs_hint = false} : vector<1024x192xbf16>, vector<192x256xbf16>, vector<1024x256xf32> -> vector<1024x256xf32>
    %get3A_889 = arith.constant 0 : index
    %get3A_890 = arith.constant 0 : index
    %get3A_891 = vector.load %arg6[%get3A_889, %get3A_890] : memref<1x256xf32, #tpu.memory_space<vmem>>, vector<1x256xf32>
    %add3A_892 = vector.broadcast %get3A_891 : vector<1x256xf32> to vector<1024x256xf32>
    %add3A_893 = arith.addf %dot_general3A_888, %add3A_892 : vector<1024x256xf32>
    %get3A_894 = arith.constant 0 : index
    %get3A_895 = arith.constant 0 : index
    %get3A_896 = vector.load %arg4[%get3A_894, %get3A_895] : memref<128x128xbf16, #tpu.memory_space<vmem>>, vector<128x128xbf16>
    %dot_general3A_897 = arith.constant dense<0.000000e+00> : vector<1024x128xf32>
    %dot_general3A_898 = tpu.matmul %convert_element_type3A_881, %get3A_896, %dot_general3A_897 {dimension_numbers = #tpu.dot_dimension_numbers<[1], [0], [0], [1], [0, 0, 1, 1], [], []>, transpose_lhs_hint = false} : vector<1024x128xbf16>, vector<128x128xbf16>, vector<1024x128xf32> -> vector<1024x128xf32>
    %get3A_899 = arith.constant 0 : index
    %get3A_900 = arith.constant 0 : index
    %get3A_901 = vector.load %arg7[%get3A_899, %get3A_900] : memref<1x128xf32, #tpu.memory_space<vmem>>, vector<1x128xf32>
    %add3A_902 = vector.broadcast %get3A_901 : vector<1x128xf32> to vector<1024x128xf32>
    %add3A_903 = arith.addf %dot_general3A_898, %add3A_902 : vector<1024x128xf32>
    %get3A_904 = arith.constant 0 : index
    %get3A_905 = arith.constant 0 : index
    %get3A_906 = vector.load %arg5[%get3A_904, %get3A_905] : memref<64x128xbf16, #tpu.memory_space<vmem>>, vector<64x128xbf16>
    %dot_general3A_907 = arith.constant dense<0.000000e+00> : vector<1024x128xf32>
    %dot_general3A_908 = tpu.matmul %convert_element_type3A_882, %get3A_906, %dot_general3A_907 {dimension_numbers = #tpu.dot_dimension_numbers<[1], [0], [0], [1], [0, 0, 1, 1], [], []>, transpose_lhs_hint = false} : vector<1024x64xbf16>, vector<64x128xbf16>, vector<1024x128xf32> -> vector<1024x128xf32>
    %get3A_909 = arith.constant 0 : index
    %get3A_910 = arith.constant 0 : index
    %get3A_911 = vector.load %arg8[%get3A_909, %get3A_910] : memref<1x128xf32, #tpu.memory_space<vmem>>, vector<1x128xf32>
    %add3A_912 = vector.broadcast %get3A_911 : vector<1x128xf32> to vector<1024x128xf32>
    %add3A_913 = arith.addf %dot_general3A_908, %add3A_912 : vector<1024x128xf32>
    %tanh3A_914 = math.tanh %add3A_893 : vector<1024x256xf32>
    %slice3A_915 = vector.extract_strided_slice %tanh3A_914 {offsets = [0, 0], sizes = [1024, 128], strides = [1, 1]} : vector<1024x256xf32> to vector<1024x128xf32>
    %mul3A_916 = arith.constant 5.000000e-01 : f32
    %mul3A_917 = vector.broadcast %mul3A_916 : f32 to vector<1024x128xf32>
    %mul3A_918 = arith.mulf %mul3A_917, %slice3A_915 : vector<1024x128xf32>
    %add3A_919 = arith.constant 5.000000e-01 : f32
    %add3A_920 = vector.broadcast %add3A_919 : f32 to vector<1024x128xf32>
    %add3A_921 = arith.addf %mul3A_918, %add3A_920 : vector<1024x128xf32>
    %slice3A_922 = vector.extract_strided_slice %tanh3A_914 {offsets = [0, 128], sizes = [1024, 128], strides = [1, 1]} : vector<1024x256xf32> to vector<1024x128xf32>
    %mul3A_923 = arith.constant 5.000000e-01 : f32
    %mul3A_924 = vector.broadcast %mul3A_923 : f32 to vector<1024x128xf32>
    %mul3A_925 = arith.mulf %mul3A_924, %slice3A_922 : vector<1024x128xf32>
    %add3A_926 = arith.constant 5.000000e-01 : f32
    %add3A_927 = vector.broadcast %add3A_926 : f32 to vector<1024x128xf32>
    %add3A_928 = arith.addf %mul3A_925, %add3A_927 : vector<1024x128xf32>
    %mul3A_929 = arith.mulf %add3A_921, %add3A_903 : vector<1024x128xf32>
    %add3A_930 = arith.addf %add3A_913, %mul3A_929 : vector<1024x128xf32>
    %tanh3A_931 = math.tanh %add3A_930 : vector<1024x128xf32>
    %sub3A_932 = arith.subf %get3A_880, %tanh3A_931 : vector<1024x128xf32>
    %mul3A_933 = arith.mulf %add3A_928, %sub3A_932 : vector<1024x128xf32>
    %add3A_934 = arith.addf %tanh3A_931, %mul3A_933 : vector<1024x128xf32>
    %swap3A_935 = arith.constant 0 : index
    %swap3A_936 = arith.constant 0 : index
    %swap3A_937 = vector.load %arg16[%swap3A_935, %swap3A_936] : memref<1024x128xf32, #tpu.memory_space<vmem>>, vector<1024x128xf32>
    tpu.vector_store %arg16[%swap3A_935, %swap3A_936], %add3A_934 {strides = array<i32>} : memref<1024x128xf32, #tpu.memory_space<vmem>>, vector<1024x128xf32>,
    %get3A_938 = arith.constant 0 : index
    %get3A_939 = arith.constant 0 : index
    %get3A_940 = vector.load %arg2[%get3A_938, %get3A_939] : memref<8192x128xf32, #tpu.memory_space<vmem>>, vector<1024x64xf32>
    %get3A_941 = arith.constant 0 : index
    %get3A_942 = arith.constant 0 : index
    %get3A_943 = vector.load %arg17[%get3A_941, %get3A_942] : memref<1024x128xf32, #tpu.memory_space<vmem>>, vector<1024x128xf32>
    %convert_element_type3A_944 = arith.truncf %get3A_943 : vector<1024x128xf32> to vector<1024x128xbf16>
    %convert_element_type3A_945 = arith.truncf %get3A_940 : vector<1024x64xf32> to vector<1024x64xbf16>
    %concatenate3A_946 = tpu.concatenate %convert_element_type3A_944, %convert_element_type3A_945 in 1 : vector<1024x128xbf16>, vector<1024x64xbf16> -> vector<1024x192xbf16>
    %get3A_947 = arith.constant 0 : index
    %get3A_948 = arith.constant 0 : index
    %get3A_949 = vector.load %arg9[%get3A_947, %get3A_948] : memref<192x256xbf16, #tpu.memory_space<vmem>>, vector<192x256xbf16>
    %dot_general3A_950 = arith.constant dense<0.000000e+00> : vector<1024x256xf32>
    %dot_general3A_951 = tpu.matmul %concatenate3A_946, %get3A_949, %dot_general3A_950 {dimension_numbers = #tpu.dot_dimension_numbers<[1], [0], [0], [1], [0, 0, 1, 1], [], []>, transpose_lhs_hint = false} : vector<1024x192xbf16>, vector<192x256xbf16>, vector<1024x256xf32> -> vector<1024x256xf32>
    %get3A_952 = arith.constant 0 : index
    %get3A_953 = arith.constant 0 : index
    %get3A_954 = vector.load %arg12[%get3A_952, %get3A_953] : memref<1x256xf32, #tpu.memory_space<vmem>>, vector<1x256xf32>
    %add3A_955 = vector.broadcast %get3A_954 : vector<1x256xf32> to vector<1024x256xf32>
    %add3A_956 = arith.addf %dot_general3A_951, %add3A_955 : vector<1024x256xf32>
    %get3A_957 = arith.constant 0 : index
    %get3A_958 = arith.constant 0 : index
    %get3A_959 = vector.load %arg10[%get3A_957, %get3A_958] : memref<128x128xbf16, #tpu.memory_space<vmem>>, vector<128x128xbf16>
    %dot_general3A_960 = arith.constant dense<0.000000e+00> : vector<1024x128xf32>
    %dot_general3A_961 = tpu.matmul %convert_element_type3A_944, %get3A_959, %dot_general3A_960 {dimension_numbers = #tpu.dot_dimension_numbers<[1], [0], [0], [1], [0, 0, 1, 1], [], []>, transpose_lhs_hint = false} : vector<1024x128xbf16>, vector<128x128xbf16>, vector<1024x128xf32> -> vector<1024x128xf32>
    %get3A_962 = arith.constant 0 : index
    %get3A_963 = arith.constant 0 : index
    %get3A_964 = vector.load %arg13[%get3A_962, %get3A_963] : memref<1x128xf32, #tpu.memory_space<vmem>>, vector<1x128xf32>
    %add3A_965 = vector.broadcast %get3A_964 : vector<1x128xf32> to vector<1024x128xf32>
    %add3A_966 = arith.addf %dot_general3A_961, %add3A_965 : vector<1024x128xf32>
    %get3A_967 = arith.constant 0 : index
    %get3A_968 = arith.constant 0 : index
    %get3A_969 = vector.load %arg11[%get3A_967, %get3A_968] : memref<64x128xbf16, #tpu.memory_space<vmem>>, vector<64x128xbf16>
    %dot_general3A_970 = arith.constant dense<0.000000e+00> : vector<1024x128xf32>
    %dot_general3A_971 = tpu.matmul %convert_element_type3A_945, %get3A_969, %dot_general3A_970 {dimension_numbers = #tpu.dot_dimension_numbers<[1], [0], [0], [1], [0, 0, 1, 1], [], []>, transpose_lhs_hint = false} : vector<1024x64xbf16>, vector<64x128xbf16>, vector<1024x128xf32> -> vector<1024x128xf32>
    %get3A_972 = arith.constant 0 : index
    %get3A_973 = arith.constant 0 : index
    %get3A_974 = vector.load %arg14[%get3A_972, %get3A_973] : memref<1x128xf32, #tpu.memory_space<vmem>>, vector<1x128xf32>
    %add3A_975 = vector.broadcast %get3A_974 : vector<1x128xf32> to vector<1024x128xf32>
    %add3A_976 = arith.addf %dot_general3A_971, %add3A_975 : vector<1024x128xf32>
    %tanh3A_977 = math.tanh %add3A_956 : vector<1024x256xf32>
    %slice3A_978 = vector.extract_strided_slice %tanh3A_977 {offsets = [0, 0], sizes = [1024, 128], strides = [1, 1]} : vector<1024x256xf32> to vector<1024x128xf32>
    %mul3A_979 = arith.constant 5.000000e-01 : f32
    %mul3A_980 = vector.broadcast %mul3A_979 : f32 to vector<1024x128xf32>
    %mul3A_981 = arith.mulf %mul3A_980, %slice3A_978 : vector<1024x128xf32>
    %add3A_982 = arith.constant 5.000000e-01 : f32
    %add3A_983 = vector.broadcast %add3A_982 : f32 to vector<1024x128xf32>
    %add3A_984 = arith.addf %mul3A_981, %add3A_983 : vector<1024x128xf32>
    %slice3A_985 = vector.extract_strided_slice %tanh3A_977 {offsets = [0, 128], sizes = [1024, 128], strides = [1, 1]} : vector<1024x256xf32> to vector<1024x128xf32>
    %mul3A_986 = arith.constant 5.000000e-01 : f32
    %mul3A_987 = vector.broadcast %mul3A_986 : f32 to vector<1024x128xf32>
    %mul3A_988 = arith.mulf %mul3A_987, %slice3A_985 : vector<1024x128xf32>
    %add3A_989 = arith.constant 5.000000e-01 : f32
    %add3A_990 = vector.broadcast %add3A_989 : f32 to vector<1024x128xf32>
    %add3A_991 = arith.addf %mul3A_988, %add3A_990 : vector<1024x128xf32>
    %mul3A_992 = arith.mulf %add3A_984, %add3A_966 : vector<1024x128xf32>
    %add3A_993 = arith.addf %add3A_976, %mul3A_992 : vector<1024x128xf32>
    %tanh3A_994 = math.tanh %add3A_993 : vector<1024x128xf32>
    %sub3A_995 = arith.subf %get3A_943, %tanh3A_994 : vector<1024x128xf32>
    %mul3A_996 = arith.mulf %add3A_991, %sub3A_995 : vector<1024x128xf32>
    %add3A_997 = arith.addf %tanh3A_994, %mul3A_996 : vector<1024x128xf32>
    %swap3A_998 = arith.constant 0 : index
    %swap3A_999 = arith.constant 0 : index
    %swap3A_1000 = vector.load %arg17[%swap3A_998, %swap3A_999] : memref<1024x128xf32, #tpu.memory_space<vmem>>, vector<1024x128xf32>
    tpu.vector_store %arg17[%swap3A_998, %swap3A_999], %add3A_997 {strides = array<i32>} : memref<1024x128xf32, #tpu.memory_space<vmem>>, vector<1024x128xf32>,
    %eq3A_1001 = arith.constant 24 : i32
    %eq3A_1002 = arith.cmpi eq, %arg0, %eq3A_1001 : i32
    %convert_element_type3A_1003 = arith.extui %eq3A_1002 : i1 to i32
    %cond3A_1004 = arith.constant 0 : i32
    %cond3A_1005 = arith.cmpi ne, %convert_element_type3A_1003, %cond3A_1004 : i32
    scf.if %cond3A_1005 {
      %get3A_1006 = arith.constant 0 : index
      %get3A_1007 = arith.constant 0 : index
      %get3A_1008 = vector.load %arg16[%get3A_1006, %get3A_1007] : memref<1024x128xf32, #tpu.memory_space<vmem>>, vector<1024x128xf32>
      %swap3A_1009 = arith.constant 0 : index
      %swap3A_1010 = arith.constant 0 : index
      %swap3A_1011 = arith.constant 0 : index
      %swap3A_1012 = vector.load %arg15[%swap3A_1009, %swap3A_1010, %swap3A_1011] : memref<2x1024x128xf32, #tpu.memory_space<vmem>>, vector<1x1024x128xf32>
      %swap3A_1013 = vector.shape_cast %swap3A_1012 : vector<1x1024x128xf32> to vector<1024x128xf32>
      %swap3A_1014 = vector.shape_cast %get3A_1008 : vector<1024x128xf32> to vector<1x1024x128xf32>
      tpu.vector_store %arg15[%swap3A_1009, %swap3A_1010, %swap3A_1011], %swap3A_1014 {strides = array<i32>} : memref<2x1024x128xf32, #tpu.memory_space<vmem>>, vector<1x1024x128xf32>,
      %get3A_1015 = arith.constant 0 : index
      %get3A_1016 = arith.constant 0 : index
      %get3A_1017 = vector.load %arg17[%get3A_1015, %get3A_1016] : memref<1024x128xf32, #tpu.memory_space<vmem>>, vector<1024x128xf32>
      %swap3A_1018 = arith.constant 1 : index
      %swap3A_1019 = arith.constant 0 : index
      %swap3A_1020 = arith.constant 0 : index
      %swap3A_1021 = vector.load %arg15[%swap3A_1018, %swap3A_1019, %swap3A_1020] : memref<2x1024x128xf32, #tpu.memory_space<vmem>>, vector<1x1024x128xf32>
      %swap3A_1022 = vector.shape_cast %swap3A_1021 : vector<1x1024x128xf32> to vector<1024x128xf32>
      %swap3A_1023 = vector.shape_cast %get3A_1017 : vector<1024x128xf32> to vector<1x1024x128xf32>
      tpu.vector_store %arg15[%swap3A_1018, %swap3A_1019, %swap3A_1020], %swap3A_1023 {strides = array<i32>} : memref<2x1024x128xf32, #tpu.memory_space<vmem>>, vector<1x1024x128xf32>,
    } else {
    }
    return
  }
  func.func @transform_0(%arg0: i32) -> (i32, i32) {
    %c0_i32 = arith.constant 0 : i32
    %c0_i32_0 = arith.constant 0 : i32
    return %arg0, %c0_i32 : i32, i32
  }
  func.func @transform_1(%arg0: i32) -> (i32, i32) {
    %sub3A = arith.constant 24 : i32
    %sub3A_0 = arith.subi %sub3A, %arg0 : i32
    %c0_i32 = arith.constant 0 : i32
    %c0_i32_1 = arith.constant 0 : i32
    return %sub3A_0, %c0_i32 : i32, i32
  }
  func.func @transform_2(%arg0: i32) -> (i32, i32) {
    %c0_i32 = arith.constant 0 : i32
    %c0_i32_0 = arith.constant 0 : i32
    %c0_i32_1 = arith.constant 0 : i32
    return %c0_i32, %c0_i32_0 : i32, i32
  }
  func.func @transform_3(%arg0: i32) -> (i32, i32) {
    %c0_i32 = arith.constant 0 : i32
    %c0_i32_0 = arith.constant 0 : i32
    %c0_i32_1 = arith.constant 0 : i32
    return %c0_i32, %c0_i32_0 : i32, i32
  }
  func.func @transform_4(%arg0: i32) -> (i32, i32) {
    %c0_i32 = arith.constant 0 : i32
    %c0_i32_0 = arith.constant 0 : i32
    %c0_i32_1 = arith.constant 0 : i32
    return %c0_i32, %c0_i32_0 : i32, i32
  }
  func.func @transform_5(%arg0: i32) -> (i32, i32) {
    %c0_i32 = arith.constant 0 : i32
    %c0_i32_0 = arith.constant 0 : i32
    %c0_i32_1 = arith.constant 0 : i32
    return %c0_i32, %c0_i32_0 : i32, i32
  }
  func.func @transform_6(%arg0: i32) -> (i32, i32) {
    %c0_i32 = arith.constant 0 : i32
    %c0_i32_0 = arith.constant 0 : i32
    %c0_i32_1 = arith.constant 0 : i32
    return %c0_i32, %c0_i32_0 : i32, i32
  }
  func.func @transform_7(%arg0: i32) -> (i32, i32) {
    %c0_i32 = arith.constant 0 : i32
    %c0_i32_0 = arith.constant 0 : i32
    %c0_i32_1 = arith.constant 0 : i32
    return %c0_i32, %c0_i32_0 : i32, i32
  }
  func.func @transform_8(%arg0: i32) -> (i32, i32) {
    %c0_i32 = arith.constant 0 : i32
    %c0_i32_0 = arith.constant 0 : i32
    %c0_i32_1 = arith.constant 0 : i32
    return %c0_i32, %c0_i32_0 : i32, i32
  }
  func.func @transform_9(%arg0: i32) -> (i32, i32) {
    %c0_i32 = arith.constant 0 : i32
    %c0_i32_0 = arith.constant 0 : i32
    %c0_i32_1 = arith.constant 0 : i32
    return %c0_i32, %c0_i32_0 : i32, i32
  }
  func.func @transform_10(%arg0: i32) -> (i32, i32) {
    %c0_i32 = arith.constant 0 : i32
    %c0_i32_0 = arith.constant 0 : i32
    %c0_i32_1 = arith.constant 0 : i32
    return %c0_i32, %c0_i32_0 : i32, i32
  }
  func.func @transform_11(%arg0: i32) -> (i32, i32) {
    %c0_i32 = arith.constant 0 : i32
    %c0_i32_0 = arith.constant 0 : i32
    %c0_i32_1 = arith.constant 0 : i32
    return %c0_i32, %c0_i32_0 : i32, i32
  }
  func.func @transform_12(%arg0: i32) -> (i32, i32) {
    %c0_i32 = arith.constant 0 : i32
    %c0_i32_0 = arith.constant 0 : i32
    %c0_i32_1 = arith.constant 0 : i32
    return %c0_i32, %c0_i32_0 : i32, i32
  }
  func.func @transform_13(%arg0: i32) -> (i32, i32) {
    %c0_i32 = arith.constant 0 : i32
    %c0_i32_0 = arith.constant 0 : i32
    %c0_i32_1 = arith.constant 0 : i32
    return %c0_i32, %c0_i32_0 : i32, i32
  }
  func.func @transform_14(%arg0: i32) -> (i32, i32, i32) {
    %c0_i32 = arith.constant 0 : i32
    %c0_i32_0 = arith.constant 0 : i32
    %c0_i32_1 = arith.constant 0 : i32
    %c0_i32_2 = arith.constant 0 : i32
    return %c0_i32, %c0_i32_0, %c0_i32_1 : i32, i32, i32
  }
}

</mosaic_0001>

<sc_bundles>
// kernel: kernel.5.cloned.1.call-start
scs
__scs_entry_jumppad:
0x0: {  	(pc) =	sbr.rel $0x88, $3  }
0x1: {  	(tag) =	ssettag $0x0;
	lr =	simm.s32 $0x1  }
0x2: {  	[smem:$0x3F97] =	sst lr;
	_ =	strace $0xD0000000  }
0x3: {  	_ = 	snop  }
0x4: {  	_ = 	snop  }
0x5: {  	_ = 	snop  }
0x6: {  	_ = 	snop  }
0x7: {  	_ = 	snop  }
__scs_overlays_trampoline_lowered:
0x8: {  	[smem:$0x3FA6] =	sst s0  }
0x9: {  	[smem:$0x3FA7] =	sst s1  }
0xa: {  	[smem:$0x3FA8] =	sst s2  }
0xb: {  	[smem:$0x3FA9] =	sst s3  }
0xc: {  	[smem:$0x3FAA] =	sst s4  }
0xd: {  	[smem:$0x3FAB] =	sst s5  }
0xe: {  	[smem:$0x3FAC] =	sst s6  }
0xf: {  	[smem:$0x3FAD] =	sst s7  }
0x10: {  	[smem:$0x3FAE] =	sst s8  }
0x11: {  	[smem:$0x3FAF] =	sst s9;
	s0 =	simm.s32 @!p0 $0x0  }
0x12: {  	s1 =	sld [smem:$0x3F95];
	s0 =	simm.s32 @p0 $0x1  }
0x13: {  	[smem:$0x3FB0] =	sst s0;
	s0 =	simm.s32 @!p1 $0x0  }
0x14: {  	s2 =	sld [smem:$0x3F94];
	s0 =	simm.s32 @p1 $0x1  }
0x15: {  	[smem:$0x3FB1] =	sst s0;
	s0 =	simm.s32 @!p2 $0x0  }
0x16: {  	s3 =	sld [smem:$0x3FDB];
	s0 =	simm.s32 @p2 $0x1  }
0x17: {  	s4 =	simm.s32 $0x1BF5;
	[smem:$0x3FB3] =	sst s0  }
0x18: {  	s0 =	sld [smem:$0x3F96];
	_ =	swait.ge [sflag:s4], $0x0  }
0x19: {  	s7 =	sld [smem:$0x3F97]  }
0x1a: {  	s8 =	sadd.s32 $0xFFFFE003, lr  }
0x1b: {  	s9 =	sadd.s32 $0xFFFFFEF7, lr;
	s5 =	simm.s32 $0xFFFFFFFF;
	p2 =	slt.u32 s8, $0xFFFFF086  }
0x1c: {  	p1 =	slt.u32 s9, $0xF7A;
	s5 =	simm.s32 @!p2 $0x0  }
0x1d: {  	s5 =	simm.s32 @p1 $0x1;
	p0 =	seq.s32 s7, s2  }
0x1e: {  	s7 =	smul.u32 @!p0 $0xF7A, s2;
	p2 =	seq.s32 @!p0 s5, $0x0  }
0x1f: {  	s9 =	smul.u32 $0xF7A, s1;
	s8 =	simm.s32 @!p0 $0x1BF5;
	p2 =	por !p2, p0  }
0x20: {  	[sflag:s8] =	ssyncset.s32 @!p0 $0xFFFFF086;
	s6 =	sadd.s32 @!p0 s3, s7;
	s7 =	simm.s32 @!p0 $0x108  }
0x21: {  	s3 =	sadd.s32 s3, s9;
	s6 =	sadd.s32 @!p0 $0x88, s6;
	s7 =	simm.s32 @p2 $0x1082  }
0x22: {  	[simem:s7], [sflag:s8] =	dma.local @!p0 [hbm:s6], $0xF7A  }
0x23: {  	s9 =	sor.u32 $0xD0000000, s2;
	s6 =	simm.s32 $0x108;
	_ =	swait.ge @!p0 [sflag:s8], $0x0  }
0x24: {  	s3 =	sadd.s32 $0x88, s3;
	s6 =	simm.s32 @!p1 $0x1082;
	[sflag:s4] =	ssyncset.s32 $0xFFFFF086  }
0x25: {  	[simem:s6], [sflag:s4] =	dma.local [hbm:s3], $0xF7A  }
0x26: {  	[smem:$0x3F97] =	sst s1;
	(tag) =	ssettag s2;
	_ =	strace s9  }
0x27: {  	s1 =	sld [smem:$0x3FA7]  }
0x28: {  	s2 =	sld [smem:$0x3FA8]  }
0x29: {  	s4 =	sld [smem:$0x3FAA]  }
0x2a: {  	p0 =	seq.s32 s5, $0x0;
	s5 =	sld [smem:$0x3FAB]  }
0x2b: {  	s6 =	sld [smem:$0x3FAC]  }
0x2c: {  	s7 =	sld [smem:$0x3FAD]  }
0x2d: {  	s3 =	simm.s32 $0x108;
	s8 =	sld [smem:$0x3FAE]  }
0x2e: {  	s3 =	simm.s32 @!p0 $0x1082;
	s9 =	sld [smem:$0x3FAF]  }
0x2f: {  	lr =	sadd.s32 s0, s3;
	s0 =	sld [smem:$0x3FA6]  }
0x30: {  	s3 =	sld [smem:$0x3FA9]  }
0x31: {  	[smem:$0x3FB2] =	sst s10  }
0x32: {  	s10 =	sld [smem:$0x3FB0];
	_ =	sdelay $0x3  }
0x33: {  	p0 =	seq.s32 s10, $0x1;
	s10 =	sld [smem:$0x3FB2];
	_ =	sdelay $0x3  }
0x34: {  	[smem:$0x3FB2] =	sst s10  }
0x35: {  	s10 =	sld [smem:$0x3FB1];
	_ =	sdelay $0x3  }
0x36: {  	p1 =	seq.s32 s10, $0x1;
	s10 =	sld [smem:$0x3FB2];
	_ =	sdelay $0x3  }
0x37: {  	[smem:$0x3FB2] =	sst s10  }
0x38: {  	s10 =	sld [smem:$0x3FB3]  }
0x39: {  	_ = 	snop;
	(pc) =	sbr.ind lr, $3  }
0x3a: {  	_ = 	snop  }
0x3b: {  	_ = 	snop  }
0x3c: {  	p2 =	seq.s32 s10, $0x1;
	s10 =	sld [smem:$0x3FB2]  }
0x3d: {  	_ =	shalt  }
0x3e: {  	_ =	shalt  }
0x3f: {  	_ =	shalt  }
0x40: {  	_ =	shalt  }
0x41: {  	_ =	shalt  }
0x42: {  	_ =	shalt  }
0x43: {  	_ =	shalt  }
0x44: {  	_ =	shalt  }
0x45: {  	_ =	shalt  }
0x46: {  	_ =	shalt  }
0x47: {  	_ =	shalt  }
0x48: {  	_ =	shalt  }
0x49: {  	_ =	shalt  }
0x4a: {  	_ =	shalt  }
0x4b: {  	_ =	shalt  }
0x4c: {  	_ =	shalt  }
0x4d: {  	_ =	shalt  }
0x4e: {  	_ =	shalt  }
0x4f: {  	_ =	shalt  }
0x50: {  	_ =	shalt  }
0x51: {  	_ =	shalt  }
0x52: {  	_ =	shalt  }
0x53: {  	_ =	shalt  }
0x54: {  	_ =	shalt  }
0x55: {  	_ =	shalt  }
0x56: {  	_ =	shalt  }
0x57: {  	_ =	shalt  }
0x58: {  	_ =	shalt  }
0x59: {  	_ =	shalt  }
0x5a: {  	_ =	shalt  }
0x5b: {  	_ =	shalt  }
0x5c: {  	_ =	shalt  }
0x5d: {  	_ =	shalt  }
0x5e: {  	_ =	shalt  }
0x5f: {  	_ =	shalt  }
0x60: {  	_ =	shalt  }
0x61: {  	_ =	shalt  }
0x62: {  	_ =	shalt  }
0x63: {  	_ =	shalt  }
0x64: {  	_ =	shalt  }
0x65: {  	_ =	shalt  }
0x66: {  	_ =	shalt  }
0x67: {  	_ =	shalt  }
0x68: {  	_ =	shalt  }
0x69: {  	_ =	shalt  }
0x6a: {  	_ =	shalt  }
0x6b: {  	_ =	shalt  }
0x6c: {  	_ =	shalt  }
0x6d: {  	_ =	shalt  }
0x6e: {  	_ =	shalt  }
0x6f: {  	_ =	shalt  }
0x70: {  	_ =	shalt  }
0x71: {  	_ =	shalt  }
0x72: {  	_ =	shalt  }
0x73: {  	_ =	shalt  }
0x74: {  	_ =	shalt  }
0x75: {  	_ =	shalt  }
0x76: {  	_ =	shalt  }
0x77: {  	_ =	shalt  }
0x78: {  	_ =	shalt  }
0x79: {  	_ =	shalt  }
0x7a: {  	_ =	shalt  }
0x7b: {  	_ =	shalt  }
0x7c: {  	_ =	shalt  }
0x7d: {  	_ =	shalt  }
0x7e: {  	_ =	shalt  }
0x7f: {  	_ =	shalt  }
0x80: {  	_ =	shalt  }
0x81: {  	_ =	shalt  }
0x82: {  	_ =	shalt  }
0x83: {  	_ =	shalt  }
0x84: {  	_ =	shalt  }
0x85: {  	_ =	shalt  }
0x86: {  	_ =	shalt  }
0x87: {  	_ =	shalt  }
.Lfunc_end0:
.L_simem_size_0:
called_computation_lowered:
.L_overlay_start_0:
0x88: {  	s2 =	sld [smem:$0x3FD9]  }
0x89: {  	s3 =	sld [smem:$0x3FFE];
	_ =	sdelay $0x1  }
0x8a: {  	s1 =	srdreg.scid  }
0x8b: {  	s0 =	sand.u32 $0x1, s1  }
0x8c: {  	s17 =	sshll.u32 s0, $0xA;
	s2 =	sadd.s32 s3, s2  }
0x8d: {  	s2 =	sadd.s32 s2, s17  }
0x8e: {  	[smem:$0x3FBE] =	sst s2  }
0x8f: {  	_ = 	snop  }
0x90: {  	s2 =	sld [smem:$0x3FD0];
	(tm) =	ssettm $0x1  }
0x91: {  	s18 =	sld [smem:$0x3FFB];
	_ =	sdelay $0x3  }
0x92: {  	_ =	strace s18  }
0x93: {  	s3 =	sld [smem:$0x3FFC];
	_ =	sdelay $0x3  }
0x94: {  	_ =	strace s3  }
0x95: {  	s3 =	sld [smem:$0x3FFD];
	_ =	sdelay $0x3  }
0x96: {  	_ =	strace s3  }
0x97: {  	_ =	strace $0x8FFFFFFF  }
0x98: {  	s19 =	sld [smem:$0x3FDB];
	_ =	sdelay $0x1  }
0x99: {  	s4 =	simm.s32 $_scs_section_size  }
0x9a: {  	s5 =	simm.s32 $_size__tile_overlayer_lowered;
	s6 =	simm.s32 $_tile_overlayer_lowered  }
0x9b: {  	s22 =	simm.s32 $0x1BFF;
	s21 =	sshll.u32 s6, $0x1;
	s3 =	sadd.s32 s4, s19  }
0x9c: {  	s7 =	simm.s32 $0x0;
	s20 =	sshll.u32 s5, $0x1;
	s5 =	sadd.s32 s21, s3  }
0x9d: {  	[timem:s7], [sflag:s22] =	dma.local [hbm:s5], s20  }
0x9e: {  	_ =	swait.ge [sflag:s22], s20  }
0x9f: {  	s4 =	ssub.s32 $0x0, s20;
	[sflag:s22] =	ssyncset.done $0x0  }
0xa0: {  	[sflag:s22] =	ssyncadd.s32 s4;
	_ =	sdelay $0x1  }
0xa1: {  	s23 =	simm.s32 $0x1B8B  }
0xa2: {  	_ =	swait.ge [sflag:s23], $0x1  }
0xa3: {  	[sflag:s23] =	ssyncset.done $0x0  }
0xa4: {  	s25 =	simm.s32 $0x1B8E;
	s24 =	sld [smem:$0x3FFE];
	[sflag:s23] =	ssyncadd.s32 $0xFFFFFFFF  }
0xa5: {  	s26 =	simm.s32 $execute0_lowered;
	[smem:$0x3FD2] =	sst s25  }
0xa6: {  	s5 =	sshll.u32 s26, $0x1;
	_ =	strace $0x80000046;
	[dreg:$0x1] =	wrdreg $0xFFFFFFFF  }
0xa7: {  	s28 =	simm.s32 $_size_execute0_lowered;
	s3 =	sadd.s32 s3, s5;
	[dreg:$0x0] =	wrdreg $0x0  }
0xa8: {  	s5 =	sshll.u32 s28, $0x1;
	[dreg:$0x2] =	wrdreg s3  }
0xa9: {  	[dreg:$0x3] =	wrdreg s5  }
0xaa: {  	[dreg:$0x4] =	wrdreg $0xC0  }
0xab: {  	_ =	task [dreg:s7], $0x5FFFF  }
0xac: {  	[dreg:$0x1] =	wrdreg $0xFFFFFFFF  }
0xad: {  	[dreg:$0x0] =	wrdreg $0x60  }
0xae: {  	[dreg:$0x2] =	wrdreg s24  }
0xaf: {  	[dreg:$0x3] =	wrdreg s2  }
0xb0: {  	[dreg:$0x4] =	wrdreg $0x9  }
0xb1: {  	_ =	task.clear_ibuf [dreg:s7], $0x5FFFF;
	_ =	strace $0x90000046  }
0xb2: {  	s29 =	simm.s32 $0x9;
	_ =	strace $0x80000048  }
0xb3: {  	_ =	swait.ge [sflag:s29], $0x1  }
0xb4: {  	[sflag:s29] =	ssyncadd.s32 $0xFFFFFFFF  }
0xb5: {  	_ =	strace $0x90000048  }
0xb6: {  	_ =	sfence  }
0xb7: {  	s30 =	sld [smem:$0x0];
	_ =	sdelay $0x2  }
0xb8: {  	s31 =	sshll.u32 s1, $0xD;
	s1 =	sshrl.u32 s1, $0x2  }
0xb9: {  	s3 =	sand.u32 $0x4000, s31;
	s1 =	sadd.s32 s1, s30  }
0xba: {  	s0 =	sor.u32 s3, s0;
	s1 =	sshll.u32 s1, $0x11  }
0xbb: {  	s0 =	sor.u32 s1, s0  }
0xbc: {  	s0 =	sadd.s32 $0x8F2B, s0  }
0xbd: {  	[sflag:s0] =	ssyncadd.remote.s32 $0x1  }
0xbe: {  	_ =	sfence.sel $0xFFFF  }
0xbf: {  	[dreg:$0x0] =	wrdreg $0xFFFFFFFF;
	(pc) =	sbr.abs _section_cstart, $3  }
0xc0: {  	[dreg:$0x1] =	wrdreg $0xFFFFFFFF  }
0xc1: {  	_ =	task.clear_ibuf [dreg:s7], $0x2FFFF;
	_ =	strace $0x9FFFFFFF  }
0xc2: {  	(tm) =	ssettm $0x7FFFFFFF  }
0xc3: {  	_ =	shalt  }
tec
execute0_lowered:
.L_overlay_start_1:
0x0: {  	(tag) =	ssettag $0x1  }
0x1: {  	s0 =	rddreg [dreg:$0x0]  }
0x2: {  	s1 =	rddreg [dreg:$0x1]  }
0x3: {  	s2 =	simm.s32 $0x0;
	s3 =	srdreg.scid;
	s25 =	stileid.u32  }
0x4: {  	s12 =	simm.s32 $0x80;
	s13 =	simm.s32 $0x1900;
	s14 =	simm.s32 $0x3900  }
0x5: {  	s16 =	simm.s32 $0x5900;
	s18 =	simm.s32 $0x7900;
	s20 =	simm.s32 $0x9900  }
0x6: {  	s21 =	simm.s32 $0x1;
	s22 =	simm.s32 $0x40;
	s23 =	simm.s32 $0x2  }
0x7: {  	s24 =	simm.s32 $0x3;
	s28 =	simm.s32 $0x0;
	[smem:$0x7FF] =	sst s2  }
0x8: {  	s6 =	sand.u32 $0x1, s3;
	s4 =	smul.u32 $0x3200, s25;
	s3 =	sadd.s32 $0x188800, s0  }
0x9: {  	s26 =	sshll.u32 s25, $0x1;
	s10 =	sadd.s32 $0x24BE00, s0;
	s11 =	smul.u32 $0x32000, s25  }
0xa: {  	s25 =	simm.s32 $0x4;
	_ =	strace $0x80000047;
	s7 =	smul.u32 $0x1900, s6  }
0xb: {  	s5 =	sor.u32 s6, s26;
	s8 =	ssub.s32 $0x2, s6;
	s6 =	smul.u32 $0x19000, s6  }
0xc: {  	s26 =	simm.s32 $0x5;
	s5 =	smul.u32 $0x320, s5;
	s29 =	sshrl.u32 s8, $0x1  }
.Ltmp0:
0xd: {  	s31 =	sadd.s32 s11, s10;
	s7 =	sadd.s32 s7, s4;
	(pc) =	sbr.rel .LBB2_1-.Ltmp0, $4  }
0xe: {  	s11 =	simm.s32 $0x6;
	s0 =	ssub.s32 s8, s29;
	s30 =	sshll.u32 s7, $0x4  }
0xf: {  	s1 =	sadd.s32 s1, s5;
	s5 =	smax.u32 s0, $0x1;
	s7 =	sadd.s32 s30, s10  }
0x10: {  	[dreg:$0x3] =	wrdreg s1;
	s10 =	sadd.s32 s6, s31;
	s1 =	sadd.s32 $0x2000, s7  }
0x11: {  	s0 =	sadd.s32 $0x1800, s7;
	s8 =	sadd.s32 $0x1000, s7;
	s9 =	sadd.s32 $0x800, s7  }
.LBB2_4:
0x12: {  	s28 =	sadd.s32 $0x1, s28  }
0x13: {  	p0 =	sne.s32 s28, s5  }
.Ltmp1:
0x14: {  	_ = 	snop;
	(pc) =	sbr.rel @!p0 .LBB2_5-.Ltmp1, $1  }
0x15: {  	_ =	sdelay $0x3  }
.LBB2_1:
0x16: {  	s2 =	simm.s32 $0x0;
	s4 =	rddreg [dreg:$0x3]  }
0x17: {  	[tilespmem:s2], [sflag:$0x6] =	stream.linear.gather [hbm4b:s4+s2], $0x1900, $0x38;
	[tilespmem:$0xB900] =	vst v63  }
0x18: {  	_ =	swait.ge [sflag:s11], $0x1900  }
0x19: {  	[sflag:s11] =	ssyncset.done $0x0  }
0x1a: {  	[sflag:s11] =	ssyncadd.s32 $0xFFFFE700  }
0x1b: {  	[tilespmem:s13], [sflag:$0x1] =	stream.indirect.gather [hbm4b:s3+s12], $0x40, s2, s12, $0xb8;
	[tilespmem:$0xB900] =	vst v63  }
0x1c: {  	_ = 	snop  }
0x1d: {  	[tilespmem:s14], [sflag:$0x2] =	stream.indirect.gather [hbm4b:s3+s12], $0x40, s12, s12, $0xb8;
	[tilespmem:$0xB900] =	vst v63  }
0x1e: {  	s15 =	simm.s32 $0x100;
	s17 =	simm.s32 $0x180;
	s19 =	simm.s32 $0x200  }
0x1f: {  	[tilespmem:s16], [sflag:$0x3] =	stream.indirect.gather [hbm4b:s3+s12], $0x40, s15, s12, $0xb8;
	[tilespmem:$0xB900] =	vst v63  }
0x20: {  	s29 =	smov.u32 s10;
	s30 =	smov.u32 s9;
	s31 =	smov.u32 s8  }
0x21: {  	[tilespmem:s18], [sflag:$0x4] =	stream.indirect.gather [hbm4b:s3+s12], $0x40, s17, s12, $0xb8;
	[tilespmem:$0xB900] =	vst v63  }
0x22: {  	s7 =	smov.u32 s0;
	s6 =	smov.u32 s1;
	s15 =	simm.s32 $0x0  }
0x23: {  	[tilespmem:s20], [sflag:$0x5] =	stream.indirect.gather [hbm4b:s3+s12], $0x40, s19, s12, $0xb8;
	[tilespmem:$0xB900] =	vst v63  }
.LBB2_2:
0x24: {  	_ =	swait.ge [sflag:s21], $0x2000  }
0x25: {  	[sflag:s21] =	ssyncset.done $0x0  }
0x26: {  	[sflag:s21] =	ssyncadd.s32 $0xFFFFE000  }
0x27: {  	[hbm4b:s29+s22] =	stream.strided.scatter [tilespmem:s13], [sflag:$0x6], $0x2000, s12, s22, $0x38;
	[tilespmem:$0xB900] =	vst v63  }
0x28: {  	p0 =	seq.s32 s15, $0x5A00;
	_ =	swait.ge [sflag:s11], $0x2000  }
0x29: {  	s17 =	sshra.s32 @!p0 s15, $0x2;
	s2 =	simm.s32 @!p0 $0x80;
	[sflag:s11] =	ssyncset.done $0x0  }
0x2a: {  	s4 =	simm.s32 @!p0 $0x1900;
	s19 =	sadd.s32 @!p0 $0x280, s17;
	[sflag:s11] =	ssyncadd.s32 $0xFFFFE000  }
0x2b: {  	[tilespmem:s4], [sflag:$0x1] =	stream.indirect.gather @!p0 [hbm4b:s3+s2], $0x40, s19, s2, $0xb8;
	[tilespmem:$0xB900] =	vst v63  }
0x2c: {  	_ =	swait.ge [sflag:s23], $0x2000  }
0x2d: {  	[sflag:s23] =	ssyncset.done $0x0  }
0x2e: {  	[sflag:s23] =	ssyncadd.s32 $0xFFFFE000  }
0x2f: {  	[hbm4b:s30+s22] =	stream.strided.scatter [tilespmem:s14], [sflag:$0x6], $0x2000, s12, s22, $0x38;
	[tilespmem:$0xB900] =	vst v63  }
0x30: {  	_ =	swait.ge [sflag:s11], $0x2000  }
0x31: {  	[sflag:s11] =	ssyncset.done $0x0  }
0x32: {  	s4 =	sadd.s32 @!p0 $0x300, s17;
	s19 =	simm.s32 @!p0 $0x3900;
	[sflag:s11] =	ssyncadd.s32 $0xFFFFE000  }
0x33: {  	[tilespmem:s19], [sflag:$0x2] =	stream.indirect.gather @!p0 [hbm4b:s3+s2], $0x40, s4, s2, $0xb8;
	[tilespmem:$0xB900] =	vst v63  }
0x34: {  	_ =	swait.ge [sflag:s24], $0x2000  }
0x35: {  	[sflag:s24] =	ssyncset.done $0x0  }
0x36: {  	[sflag:s24] =	ssyncadd.s32 $0xFFFFE000  }
0x37: {  	[hbm4b:s31+s22] =	stream.strided.scatter [tilespmem:s16], [sflag:$0x6], $0x2000, s12, s22, $0x38;
	[tilespmem:$0xB900] =	vst v63  }
0x38: {  	_ =	swait.ge [sflag:s11], $0x2000  }
0x39: {  	[sflag:s11] =	ssyncset.done $0x0  }
0x3a: {  	s4 =	sadd.s32 @!p0 $0x380, s17;
	s19 =	simm.s32 @!p0 $0x5900;
	[sflag:s11] =	ssyncadd.s32 $0xFFFFE000  }
0x3b: {  	[tilespmem:s19], [sflag:$0x3] =	stream.indirect.gather @!p0 [hbm4b:s3+s2], $0x40, s4, s2, $0xb8;
	[tilespmem:$0xB900] =	vst v63  }
0x3c: {  	_ =	swait.ge [sflag:s25], $0x2000  }
0x3d: {  	[sflag:s25] =	ssyncset.done $0x0  }
0x3e: {  	[sflag:s25] =	ssyncadd.s32 $0xFFFFE000  }
0x3f: {  	[hbm4b:s7+s22] =	stream.strided.scatter [tilespmem:s18], [sflag:$0x6], $0x2000, s12, s22, $0x38;
	[tilespmem:$0xB900] =	vst v63  }
0x40: {  	_ =	swait.ge [sflag:s11], $0x2000  }
0x41: {  	[sflag:s11] =	ssyncset.done $0x0  }
0x42: {  	s4 =	sadd.s32 @!p0 $0x400, s17;
	s17 =	simm.s32 @!p0 $0x7900;
	[sflag:s11] =	ssyncadd.s32 $0xFFFFE000  }
0x43: {  	[tilespmem:s17], [sflag:$0x4] =	stream.indirect.gather @!p0 [hbm4b:s3+s2], $0x40, s4, s2, $0xb8;
	[tilespmem:$0xB900] =	vst v63  }
0x44: {  	_ =	swait.ge [sflag:s26], $0x2000  }
0x45: {  	[sflag:s26] =	ssyncset.done $0x0  }
.Ltmp2:
0x46: {  	[sflag:s26] =	ssyncadd.s32 $0xFFFFE000;
	(pc) =	sbr.rel @p0 .LBB2_4-.Ltmp2, $4  }
0x47: {  	[hbm4b:s6+s22] =	stream.strided.scatter [tilespmem:s20], [sflag:$0x6], $0x2000, s12, s22, $0x38;
	[tilespmem:$0xB900] =	vst v63  }
0x48: {  	_ =	swait.ge [sflag:s11], $0x2000  }
0x49: {  	[sflag:s11] =	ssyncset.done $0x0  }
0x4a: {  	[sflag:s11] =	ssyncadd.s32 $0xFFFFE000  }
.Ltmp3:
0x4b: {  	(pc) =	sbr.rel .LBB2_2-.Ltmp3, $4  }
0x4c: {  	s2 =	sshra.s32 s15, $0x2;
	s15 =	sadd.s32 $0xA00, s15  }
0x4d: {  	s6 =	sadd.s32 $0x2800, s6;
	s7 =	sadd.s32 $0x2800, s7;
	s31 =	sadd.s32 $0x2800, s31  }
0x4e: {  	s30 =	sadd.s32 $0x2800, s30;
	s29 =	sadd.s32 $0x2800, s29;
	s2 =	sadd.s32 $0x480, s2  }
0x4f: {  	[tilespmem:s20], [sflag:$0x5] =	stream.indirect.gather [hbm4b:s3+s12], $0x40, s2, s12, $0xb8;
	[tilespmem:$0xB900] =	vst v63  }
.LBB2_5:
0x50: {  	_ =	sfence.sel $0x180000  }
0x51: {  	[bflag:$0x0] =	sbarrier.arrive $0xFFFF  }
0x52: {  	_ =	strace $0x90000047  }
0x53: {  	s0 =	stileid.u32;
	[bflag:$0x2] =	sbarrier.arrive $0xFFFF  }
0x54: {  	p0 =	sne.s32 s0, $0x0;
	s0 =	rddreg [dreg:$0x2]  }
0x55: {  	s0 =	sadd.s32 @!p0 $0x100000, s0  }
0x56: {  	[sflag:s0] =	ssyncadd.tile.s32 @!p0 $0x1;
	_ =	shalt  }
.Lfunc_end2:
_tile_overlayer_lowered:
.L_overlay_start_2:
0x57: {  	(tag) =	ssettag $0x2  }
0x58: {  	s0 =	rddreg [dreg:$0x0];
	s2 =	stileid.u32  }
0x59: {  	s1 =	rddreg [dreg:$0x1];
	p0 =	sne.s32 s2, $0x0  }
0x5a: {  	s3 =	rddreg [dreg:$0x2];
	[bflag:$0x3] =	sbarrier.arrive $0xFFFF;
	s2 =	simm.s32 @!p0 $0x1C06  }
0x5b: {  	[timem:s3], [sflag:s2] =	dma.local @!p0 [hbm:s0], s1  }
0x5c: {  	s0 =	simm.s32 @!p0 $0x6  }
0x5d: {  	_ =	swait.ge @!p0 [sflag:s0], s1  }
0x5e: {  	s1 =	ssub.s32 @!p0 $0x0, s1;
	[sflag:s0] =	ssyncset.done @!p0 $0x0  }
0x5f: {  	[sflag:s0] =	ssyncadd.s32 @!p0 s1  }
0x60: {  	[bflag:$0x3] =	sbarrier.arrive $0xFFFF  }
0x61: {  	_ =	shalt  }

</sc_bundles>
